<compile_context>
chip_gen: v7x
topology: tpu7x:2x2x1
jax: 0.10.2.dev20260603
libtpu: 0.0.44.dev20260713+nightly
codegen_flags: <defaults>
</compile_context>

<pallas_src>
import functools

import jax
import jax.numpy as jnp
from jax import lax
from jax.experimental import pallas as pl
from jax.experimental.pallas import tpu as pltpu
from jax.experimental.pallas import tpu_sc as plsc

_N_FIELDS = 26
_VOCAB = 100000
_D = 32
_B = 4096
_WIN = 1024
_NFULL = _VOCAB // _WIN
_TAIL = _VOCAB - _NFULL * _WIN
_NWIN = _NFULL + 1
_SHIFT = 10
_NBUF = 8
_CNT16 = (_NWIN + 15) // 16
_CHUNKS = _B // 16
_PAIR_CAP = _B + _NWIN * 15 + 2
_N_ITEMS = _N_FIELDS * 4
_CNT_BASE = 1


def kernel(x, tables):
    info = plsc.get_sparse_core_info()
    nc = info.num_cores

    mesh = plsc.VectorSubcoreMesh(core_axis_name="c", subcore_axis_name="s")

    @functools.partial(
        pl.kernel,
        mesh=mesh,
        out_type=jax.ShapeDtypeStruct((_N_FIELDS, 4, 8, _B), jnp.float32),
        compiler_params=pltpu.CompilerParams(needs_layout_passes=False),
        scratch_types=[
            pltpu.VMEM((_NBUF, 8, _WIN), jnp.float32),
            pltpu.VMEM((8, _TAIL), jnp.float32),
            pltpu.VMEM((8, _B), jnp.float32),
            pltpu.VMEM((_B,), jnp.int32),
            pltpu.VMEM((_PAIR_CAP,), jnp.int32),
            pltpu.VMEM((_PAIR_CAP,), jnp.int32),
            pltpu.VMEM((16 * _CNT16,), jnp.int32),
            pltpu.VMEM((16 * _CNT16,), jnp.int32),
            pltpu.VMEM((16 * _CNT16,), jnp.int32),
            pltpu.SemaphoreType.DMA,
            pltpu.SemaphoreType.DMA,
        ],
    )
    def gather_kernel(x_hbm, tab_hbm, out_hbm, win_v, tail_v, out_v, xrow_v,
                      pv_v, pb_v, hcnt_v, pbase_v, hrun_v, s_win, s_out):
        w = lax.axis_index("s") * nc + lax.axis_index("c")
        iota = lax.iota(jnp.int32, 16)
        zeros16 = jnp.zeros((16,), jnp.int32)

        def extract(vec64_ref, j):
            c = pl.multiple_of((j >> 4) * 16, 8)
            v16 = vec64_ref[pl.ds(c, 16)]
            return jnp.max(jnp.where(iota == (j & 15), v16, 0))

        def fire_window(item, wi):
            f = item >> 2
            ds = item & 3

            @pl.when(wi < _NFULL)
            def _():
                off = pl.multiple_of(wi * _WIN, 128)
                pltpu.async_copy(
                    tab_hbm.at[f, ds, :, pl.ds(off, _WIN)],
                    win_v.at[wi & (_NBUF - 1)], s_win)

            @pl.when(wi == _NFULL)
            def _():
                pltpu.async_copy(
                    tab_hbm.at[f, ds, :, pl.ds(_NFULL * _WIN, _TAIL)],
                    tail_v, s_win)

        def drain_window(full):
            if full:
                pltpu.make_async_copy(
                    tab_hbm.at[0, 0, :, pl.ds(0, _WIN)], win_v.at[0],
                    s_win).wait()
            else:
                pltpu.make_async_copy(
                    tab_hbm.at[0, 0, :, pl.ds(_NFULL * _WIN, _TAIL)],
                    tail_v, s_win).wait()

        def gather_from(winref, wi):
            base = pl.multiple_of(extract(pbase_v, wi), 8)
            cnt = extract(hcnt_v, wi)
            lo = wi * _WIN

            def chunk(j, _):
                p0 = pl.multiple_of(base + j * 16, 8)
                v16 = pv_v[pl.ds(p0, 16)]
                b16 = pb_v[pl.ds(p0, 16)]
                m = (j * 16 + iota) < cnt
                vloc = v16 - lo
                for dd in range(8):
                    dd16 = jnp.full((16,), dd, jnp.int32)
                    vals = plsc.load_gather(winref, [dd16, vloc], mask=m)
                    plsc.store_scatter(out_v, [dd16, b16], vals, mask=m)
                return 0

            lax.fori_loop(0, (cnt + 15) >> 4, chunk, 0)

        def run_item(k, item):
            f = item >> 2
            ds = item & 3

            @pl.when(k == 0)
            def _():
                for wi in range(_NBUF):
                    fire_window(item, wi)

            xoff = pl.multiple_of(f * _B, 128)
            pltpu.sync_copy(x_hbm.at[pl.ds(xoff, _B)], xrow_v)

            for c in range(_CNT16):
                hcnt_v[pl.ds(c * 16, 16)] = zeros16

            def hist(i, _):
                v16 = xrow_v[pl.ds(i * 16, 16)]
                bk = v16 >> _SHIFT
                cnt16, lm = plsc.scan_count(bk)
                plsc.addupdate_scatter(
                    hcnt_v, [bk], cnt16 - (_CNT_BASE - 1), mask=lm)
                return 0

            lax.fori_loop(0, _CHUNKS, hist, 0)

            carry = jnp.int32(0)
            for c in range(_CNT16):
                h16 = hcnt_v[pl.ds(c * 16, 16)]
                pc = (h16 + 15) & jnp.int32(-16)
                ex = plsc.cumsum(pc) - pc + carry
                pbase_v[pl.ds(c * 16, 16)] = ex
                hrun_v[pl.ds(c * 16, 16)] = ex
                carry = carry + jnp.sum(pc)

            def scat(i, _):
                v16 = xrow_v[pl.ds(i * 16, 16)]
                b16 = i * 16 + iota
                bk = v16 >> _SHIFT
                cnt16, lm = plsc.scan_count(bk)
                pos = plsc.load_gather(hrun_v, [bk]) + (cnt16 - _CNT_BASE)
                plsc.store_scatter(pv_v, [pos], v16)
                plsc.store_scatter(pb_v, [pos], b16)
                plsc.addupdate_scatter(
                    hrun_v, [bk], cnt16 - (_CNT_BASE - 1), mask=lm)
                return 0

            lax.fori_loop(0, _CHUNKS, scat, 0)

            @pl.when(k > 0)
            def _():
                pltpu.make_async_copy(out_hbm.at[0, 0], out_v, s_out).wait()

            def wloop(wi, _):
                drain_window(True)
                gather_from(win_v.at[wi & (_NBUF - 1)], wi)
                fire_window(item, wi + _NBUF)
                return 0

            lax.fori_loop(0, _NFULL, wloop, 0)
            drain_window(False)

            nxt = item + 32

            @pl.when(nxt < _N_ITEMS)
            def _():
                for wi in range(_NBUF):
                    fire_window(nxt, wi)

            gather_from(tail_v, _NFULL)
            pltpu.async_copy(out_v, out_hbm.at[f, ds], s_out)

        def item_loop(k, _):
            item = k * 32 + w

            @pl.when(item < _N_ITEMS)
            def _():
                run_item(k, item)

            return 0

        lax.fori_loop(0, 4, item_loop, 0)
        pltpu.make_async_copy(out_hbm.at[0, 0], out_v, s_out).wait()

    tabs = jnp.transpose(tables, (0, 2, 1)).reshape(_N_FIELDS, 4, 8, _VOCAB)
    out4 = gather_kernel(x.reshape(_N_FIELDS * _B), tabs)
    return jnp.transpose(out4.reshape(_N_FIELDS, _D, _B), (2, 0, 1))

# --- scband reference (transcript-rebuilt; emitter-appended) ---
"""Pipeline reference for scband-categorical-processor-49667001811203 (READ-ONLY COPY).

The authoritative reference and input builder live on the scoring server;
editing this copy changes nothing except your own understanding.
"""

import jax, jax.numpy as jnp
import numpy as np

N_FIELDS = 26
VOCAB = 100000
D_MODEL = 32
BATCH = 4096


def setup_inputs(seed: int = 0) -> dict:
    key = jax.random.key(seed)
    k1, k2 = jax.random.split(key)
    # x: one (B,) index vector per categorical feature, stacked as [n_cat, B]
    x = jax.random.randint(k1, (N_FIELDS, BATCH), 0, VOCAB, dtype=jnp.int32)
    # separate embedding table per feature; all share vocab size here, so
    # we materialize them as a single stacked tensor [n_cat, vocab, d]
    tables = jax.random.normal(k2, (N_FIELDS, VOCAB, D_MODEL), dtype=jnp.float32) * 0.02
    return {"x": x, "tables": tables}


def reference(x, tables):
    # Each field: emb_i(x_i) -> (B, d); unsqueeze(1) then cat along dim=1 -> (B, n_cat, d)
    # Vectorized over the field axis: gather rows of each table with its own indices.
    gathered = jax.vmap(lambda table, idx: jnp.take(table, idx, axis=0))(tables, x)  # (n_cat, B, d)
    out = jnp.transpose(gathered, (1, 0, 2))  # (B, n_cat, d)
    return out

if __name__ == "__main__":
    import jax
    _d = setup_inputs()
    print(jax.jit(kernel)(*tuple(_d.values())))

</pallas_src>

<mosaic_0001>
#map = affine_map<(d0, d1) -> (0)>
#map1 = affine_map<(d0, d1) -> (0, 0, 0, 0)>
module attributes {stable_mosaic.version = 14 : i64} {
  func.func @gather_kernel(%arg0: i32, %arg1: i32, %arg2: memref<106496xi32, #tpu.memory_space<hbm>>, %arg3: memref<26x4x8x100000xf32, #tpu.memory_space<hbm>>, %arg4: memref<26x4x8x4096xf32, #tpu.memory_space<hbm>>, %arg5: memref<8x8x1024xf32, #tpu.memory_space<vmem>>, %arg6: memref<8x672xf32, #tpu.memory_space<vmem>>, %arg7: memref<8x4096xf32, #tpu.memory_space<vmem>>, %arg8: memref<4096xi32, #tpu.memory_space<vmem>>, %arg9: memref<5568xi32, #tpu.memory_space<vmem>>, %arg10: memref<5568xi32, #tpu.memory_space<vmem>>, %arg11: memref<112xi32, #tpu.memory_space<vmem>>, %arg12: memref<112xi32, #tpu.memory_space<vmem>>, %arg13: memref<112xi32, #tpu.memory_space<vmem>>, %arg14: memref<!tpu.dma_semaphore, #tpu.memory_space<semaphore_mem>>, %arg15: memref<!tpu.dma_semaphore, #tpu.memory_space<semaphore_mem>>) attributes {dimension_semantics = [#tpu.dimension_semantics<core_parallel>, #tpu.dimension_semantics<subcore_parallel>], iteration_bounds = array<i64: 2, 16>, scalar_prefetch = 0 : i64, scratch_operands = 11 : i64, tpu.core_type = #tpu.core_type<sc_vector_subcore>, window_params = [{transform_indices = #map}, {transform_indices = #map1}, {transform_indices = #map1}]} {
    %mul3A = arith.constant 2 : i32
    %mul3A_0 = arith.muli %arg1, %mul3A : i32
    %add3A = arith.addi %mul3A_0, %arg0 : i32
    %iota3A = tpu.iota {dimensions = array<i32: 0>} : vector<16xi32>
    %broadcast_in_dim3A = arith.constant 0 : i32
    %broadcast_in_dim3A_1 = vector.broadcast %broadcast_in_dim3A : i32 to vector<16xi32>
    %scan3A = arith.constant 0 : i32
    %scan3A_2 = arith.constant 0 : i32
    %scan3A_3 = arith.constant 4 : i32
    %scan3A_4 = arith.addi %scan3A_2, %scan3A_3 : i32
    %scan3A_5 = arith.constant 1 : i32
    %scan3A_6 = scf.for %scan3A_17 = %scan3A_2 to %scan3A_4 step %scan3A_5 iter_args(%scan3A_18 = %scan3A) -> (i32)  : i32 {
      %mul3A_19 = arith.constant 32 : i32
      %mul3A_20 = arith.muli %scan3A_17, %mul3A_19 : i32
      %add3A_21 = arith.addi %mul3A_20, %add3A : i32
      %lt3A = arith.constant 104 : i32
      %lt3A_22 = arith.cmpi slt, %add3A_21, %lt3A : i32
      %convert_element_type3A = arith.extui %lt3A_22 : i1 to i32
      %cond3A = arith.constant 0 : i32
      %cond3A_23 = arith.cmpi ne, %convert_element_type3A, %cond3A : i32
      scf.if %cond3A_23 {
        %shift_right_arithmetic3A = arith.constant 2 : i32
        %shift_right_arithmetic3A_25 = arith.shrsi %add3A_21, %shift_right_arithmetic3A : i32
        %and3A = arith.constant 3 : i32
        %and3A_26 = arith.andi %add3A_21, %and3A : i32
        %eq3A = arith.constant 0 : i32
        %eq3A_27 = arith.cmpi eq, %scan3A_17, %eq3A : i32
        %convert_element_type3A_28 = arith.extui %eq3A_27 : i1 to i32
        %cond3A_29 = arith.constant 0 : i32
        %cond3A_30 = arith.cmpi ne, %convert_element_type3A_28, %cond3A_29 : i32
        scf.if %cond3A_30 {
          %shift_right_arithmetic3A_303 = arith.constant 2 : i32
          %shift_right_arithmetic3A_304 = arith.shrsi %add3A_21, %shift_right_arithmetic3A_303 : i32
          %and3A_305 = arith.constant 3 : i32
          %and3A_306 = arith.andi %add3A_21, %and3A_305 : i32
          %multiple_of3A_307 = arith.constant 0 : i32
          %multiple_of3A_308 = tpu.assume_multiple %multiple_of3A_307, 128 : i32
          %dma_start3A_309 = arith.constant 0 : i32
          %dma_start3A_310 = arith.constant 0 : i32
          %dma_start3A_311 = arith.constant 0 : i32
          %dma_start3A_312 = tpu.memref_slice %arg5[%dma_start3A_309, %dma_start3A_310, %dma_start3A_311] : memref<8x8x1024xf32, #tpu.memory_space<vmem>> -> memref<1x8x1024xf32, #tpu.memory_space<vmem>>
          %dma_start3A_313 = tpu.memref_squeeze %dma_start3A_312 : memref<1x8x1024xf32, #tpu.memory_space<vmem>> -> memref<8x1024xf32, #tpu.memory_space<vmem>>
          %dma_start3A_314 = arith.constant 0 : i32
          %dma_start3A_315 = tpu.memref_slice %arg3[%shift_right_arithmetic3A_304, %and3A_306, %dma_start3A_314, %multiple_of3A_308] : memref<26x4x8x100000xf32, #tpu.memory_space<hbm>> -> memref<1x1x8x1024xf32, #tpu.memory_space<hbm>>
          %dma_start3A_316 = tpu.memref_squeeze %dma_start3A_315 : memref<1x1x8x1024xf32, #tpu.memory_space<hbm>> -> memref<8x1024xf32, #tpu.memory_space<hbm>>
          %dma_start3A_317 = arith.constant 0 : i32
          %dma_start3A_318 = arith.constant 0 : i32
          %dma_start3A_319 = tpu.memref_slice %arg5[%dma_start3A_309, %dma_start3A_317, %dma_start3A_318] : memref<8x8x1024xf32, #tpu.memory_space<vmem>> -> memref<1x8x1024xf32, #tpu.memory_space<vmem>>
          %dma_start3A_320 = tpu.memref_squeeze %dma_start3A_319 : memref<1x8x1024xf32, #tpu.memory_space<vmem>> -> memref<8x1024xf32, #tpu.memory_space<vmem>>
          %dma_start3A_321 = arith.constant 0 : i32
          %dma_start3A_322 = tpu.memref_slice %arg3[%shift_right_arithmetic3A_304, %and3A_306, %dma_start3A_321, %multiple_of3A_308] : memref<26x4x8x100000xf32, #tpu.memory_space<hbm>> -> memref<1x1x8x1024xf32, #tpu.memory_space<hbm>>
          %dma_start3A_323 = tpu.memref_squeeze %dma_start3A_322 : memref<1x1x8x1024xf32, #tpu.memory_space<hbm>> -> memref<8x1024xf32, #tpu.memory_space<hbm>>
          tpu.enqueue_dma source(%dma_start3A_323 : memref<8x1024xf32, #tpu.memory_space<hbm>>) target(%dma_start3A_320 : memref<8x1024xf32, #tpu.memory_space<vmem>>) target_semaphore(%arg14 : memref<!tpu.dma_semaphore, #tpu.memory_space<semaphore_mem>>)
          %shift_right_arithmetic3A_324 = arith.constant 2 : i32
          %shift_right_arithmetic3A_325 = arith.shrsi %add3A_21, %shift_right_arithmetic3A_324 : i32
          %and3A_326 = arith.constant 3 : i32
          %and3A_327 = arith.andi %add3A_21, %and3A_326 : i32
          %multiple_of3A_328 = arith.constant 1024 : i32
          %multiple_of3A_329 = tpu.assume_multiple %multiple_of3A_328, 128 : i32
          %dma_start3A_330 = arith.constant 1 : i32
          %dma_start3A_331 = arith.constant 0 : i32
          %dma_start3A_332 = arith.constant 0 : i32
          %dma_start3A_333 = tpu.memref_slice %arg5[%dma_start3A_330, %dma_start3A_331, %dma_start3A_332] : memref<8x8x1024xf32, #tpu.memory_space<vmem>> -> memref<1x8x1024xf32, #tpu.memory_space<vmem>>
          %dma_start3A_334 = tpu.memref_squeeze %dma_start3A_333 : memref<1x8x1024xf32, #tpu.memory_space<vmem>> -> memref<8x1024xf32, #tpu.memory_space<vmem>>
          %dma_start3A_335 = arith.constant 0 : i32
          %dma_start3A_336 = tpu.memref_slice %arg3[%shift_right_arithmetic3A_325, %and3A_327, %dma_start3A_335, %multiple_of3A_329] : memref<26x4x8x100000xf32, #tpu.memory_space<hbm>> -> memref<1x1x8x1024xf32, #tpu.memory_space<hbm>>
          %dma_start3A_337 = tpu.memref_squeeze %dma_start3A_336 : memref<1x1x8x1024xf32, #tpu.memory_space<hbm>> -> memref<8x1024xf32, #tpu.memory_space<hbm>>
          %dma_start3A_338 = arith.constant 0 : i32
          %dma_start3A_339 = arith.constant 0 : i32
          %dma_start3A_340 = tpu.memref_slice %arg5[%dma_start3A_330, %dma_start3A_338, %dma_start3A_339] : memref<8x8x1024xf32, #tpu.memory_space<vmem>> -> memref<1x8x1024xf32, #tpu.memory_space<vmem>>
          %dma_start3A_341 = tpu.memref_squeeze %dma_start3A_340 : memref<1x8x1024xf32, #tpu.memory_space<vmem>> -> memref<8x1024xf32, #tpu.memory_space<vmem>>
          %dma_start3A_342 = arith.constant 0 : i32
          %dma_start3A_343 = tpu.memref_slice %arg3[%shift_right_arithmetic3A_325, %and3A_327, %dma_start3A_342, %multiple_of3A_329] : memref<26x4x8x100000xf32, #tpu.memory_space<hbm>> -> memref<1x1x8x1024xf32, #tpu.memory_space<hbm>>
          %dma_start3A_344 = tpu.memref_squeeze %dma_start3A_343 : memref<1x1x8x1024xf32, #tpu.memory_space<hbm>> -> memref<8x1024xf32, #tpu.memory_space<hbm>>
          tpu.enqueue_dma source(%dma_start3A_344 : memref<8x1024xf32, #tpu.memory_space<hbm>>) target(%dma_start3A_341 : memref<8x1024xf32, #tpu.memory_space<vmem>>) target_semaphore(%arg14 : memref<!tpu.dma_semaphore, #tpu.memory_space<semaphore_mem>>)
          %shift_right_arithmetic3A_345 = arith.constant 2 : i32
          %shift_right_arithmetic3A_346 = arith.shrsi %add3A_21, %shift_right_arithmetic3A_345 : i32
          %and3A_347 = arith.constant 3 : i32
          %and3A_348 = arith.andi %add3A_21, %and3A_347 : i32
          %multiple_of3A_349 = arith.constant 2048 : i32
          %multiple_of3A_350 = tpu.assume_multiple %multiple_of3A_349, 128 : i32
          %dma_start3A_351 = arith.constant 2 : i32
          %dma_start3A_352 = arith.constant 0 : i32
          %dma_start3A_353 = arith.constant 0 : i32
          %dma_start3A_354 = tpu.memref_slice %arg5[%dma_start3A_351, %dma_start3A_352, %dma_start3A_353] : memref<8x8x1024xf32, #tpu.memory_space<vmem>> -> memref<1x8x1024xf32, #tpu.memory_space<vmem>>
          %dma_start3A_355 = tpu.memref_squeeze %dma_start3A_354 : memref<1x8x1024xf32, #tpu.memory_space<vmem>> -> memref<8x1024xf32, #tpu.memory_space<vmem>>
          %dma_start3A_356 = arith.constant 0 : i32
          %dma_start3A_357 = tpu.memref_slice %arg3[%shift_right_arithmetic3A_346, %and3A_348, %dma_start3A_356, %multiple_of3A_350] : memref<26x4x8x100000xf32, #tpu.memory_space<hbm>> -> memref<1x1x8x1024xf32, #tpu.memory_space<hbm>>
          %dma_start3A_358 = tpu.memref_squeeze %dma_start3A_357 : memref<1x1x8x1024xf32, #tpu.memory_space<hbm>> -> memref<8x1024xf32, #tpu.memory_space<hbm>>
          %dma_start3A_359 = arith.constant 0 : i32
          %dma_start3A_360 = arith.constant 0 : i32
          %dma_start3A_361 = tpu.memref_slice %arg5[%dma_start3A_351, %dma_start3A_359, %dma_start3A_360] : memref<8x8x1024xf32, #tpu.memory_space<vmem>> -> memref<1x8x1024xf32, #tpu.memory_space<vmem>>
          %dma_start3A_362 = tpu.memref_squeeze %dma_start3A_361 : memref<1x8x1024xf32, #tpu.memory_space<vmem>> -> memref<8x1024xf32, #tpu.memory_space<vmem>>
          %dma_start3A_363 = arith.constant 0 : i32
          %dma_start3A_364 = tpu.memref_slice %arg3[%shift_right_arithmetic3A_346, %and3A_348, %dma_start3A_363, %multiple_of3A_350] : memref<26x4x8x100000xf32, #tpu.memory_space<hbm>> -> memref<1x1x8x1024xf32, #tpu.memory_space<hbm>>
          %dma_start3A_365 = tpu.memref_squeeze %dma_start3A_364 : memref<1x1x8x1024xf32, #tpu.memory_space<hbm>> -> memref<8x1024xf32, #tpu.memory_space<hbm>>
          tpu.enqueue_dma source(%dma_start3A_365 : memref<8x1024xf32, #tpu.memory_space<hbm>>) target(%dma_start3A_362 : memref<8x1024xf32, #tpu.memory_space<vmem>>) target_semaphore(%arg14 : memref<!tpu.dma_semaphore, #tpu.memory_space<semaphore_mem>>)
          %shift_right_arithmetic3A_366 = arith.constant 2 : i32
          %shift_right_arithmetic3A_367 = arith.shrsi %add3A_21, %shift_right_arithmetic3A_366 : i32
          %and3A_368 = arith.constant 3 : i32
          %and3A_369 = arith.andi %add3A_21, %and3A_368 : i32
          %multiple_of3A_370 = arith.constant 3072 : i32
          %multiple_of3A_371 = tpu.assume_multiple %multiple_of3A_370, 128 : i32
          %dma_start3A_372 = arith.constant 3 : i32
          %dma_start3A_373 = arith.constant 0 : i32
          %dma_start3A_374 = arith.constant 0 : i32
          %dma_start3A_375 = tpu.memref_slice %arg5[%dma_start3A_372, %dma_start3A_373, %dma_start3A_374] : memref<8x8x1024xf32, #tpu.memory_space<vmem>> -> memref<1x8x1024xf32, #tpu.memory_space<vmem>>
          %dma_start3A_376 = tpu.memref_squeeze %dma_start3A_375 : memref<1x8x1024xf32, #tpu.memory_space<vmem>> -> memref<8x1024xf32, #tpu.memory_space<vmem>>
          %dma_start3A_377 = arith.constant 0 : i32
          %dma_start3A_378 = tpu.memref_slice %arg3[%shift_right_arithmetic3A_367, %and3A_369, %dma_start3A_377, %multiple_of3A_371] : memref<26x4x8x100000xf32, #tpu.memory_space<hbm>> -> memref<1x1x8x1024xf32, #tpu.memory_space<hbm>>
          %dma_start3A_379 = tpu.memref_squeeze %dma_start3A_378 : memref<1x1x8x1024xf32, #tpu.memory_space<hbm>> -> memref<8x1024xf32, #tpu.memory_space<hbm>>
          %dma_start3A_380 = arith.constant 0 : i32
          %dma_start3A_381 = arith.constant 0 : i32
          %dma_start3A_382 = tpu.memref_slice %arg5[%dma_start3A_372, %dma_start3A_380, %dma_start3A_381] : memref<8x8x1024xf32, #tpu.memory_space<vmem>> -> memref<1x8x1024xf32, #tpu.memory_space<vmem>>
          %dma_start3A_383 = tpu.memref_squeeze %dma_start3A_382 : memref<1x8x1024xf32, #tpu.memory_space<vmem>> -> memref<8x1024xf32, #tpu.memory_space<vmem>>
          %dma_start3A_384 = arith.constant 0 : i32
          %dma_start3A_385 = tpu.memref_slice %arg3[%shift_right_arithmetic3A_367, %and3A_369, %dma_start3A_384, %multiple_of3A_371] : memref<26x4x8x100000xf32, #tpu.memory_space<hbm>> -> memref<1x1x8x1024xf32, #tpu.memory_space<hbm>>
          %dma_start3A_386 = tpu.memref_squeeze %dma_start3A_385 : memref<1x1x8x1024xf32, #tpu.memory_space<hbm>> -> memref<8x1024xf32, #tpu.memory_space<hbm>>
          tpu.enqueue_dma source(%dma_start3A_386 : memref<8x1024xf32, #tpu.memory_space<hbm>>) target(%dma_start3A_383 : memref<8x1024xf32, #tpu.memory_space<vmem>>) target_semaphore(%arg14 : memref<!tpu.dma_semaphore, #tpu.memory_space<semaphore_mem>>)
          %shift_right_arithmetic3A_387 = arith.constant 2 : i32
          %shift_right_arithmetic3A_388 = arith.shrsi %add3A_21, %shift_right_arithmetic3A_387 : i32
          %and3A_389 = arith.constant 3 : i32
          %and3A_390 = arith.andi %add3A_21, %and3A_389 : i32
          %multiple_of3A_391 = arith.constant 4096 : i32
          %multiple_of3A_392 = tpu.assume_multiple %multiple_of3A_391, 128 : i32
          %dma_start3A_393 = arith.constant 4 : i32
          %dma_start3A_394 = arith.constant 0 : i32
          %dma_start3A_395 = arith.constant 0 : i32
          %dma_start3A_396 = tpu.memref_slice %arg5[%dma_start3A_393, %dma_start3A_394, %dma_start3A_395] : memref<8x8x1024xf32, #tpu.memory_space<vmem>> -> memref<1x8x1024xf32, #tpu.memory_space<vmem>>
          %dma_start3A_397 = tpu.memref_squeeze %dma_start3A_396 : memref<1x8x1024xf32, #tpu.memory_space<vmem>> -> memref<8x1024xf32, #tpu.memory_space<vmem>>
          %dma_start3A_398 = arith.constant 0 : i32
          %dma_start3A_399 = tpu.memref_slice %arg3[%shift_right_arithmetic3A_388, %and3A_390, %dma_start3A_398, %multiple_of3A_392] : memref<26x4x8x100000xf32, #tpu.memory_space<hbm>> -> memref<1x1x8x1024xf32, #tpu.memory_space<hbm>>
          %dma_start3A_400 = tpu.memref_squeeze %dma_start3A_399 : memref<1x1x8x1024xf32, #tpu.memory_space<hbm>> -> memref<8x1024xf32, #tpu.memory_space<hbm>>
          %dma_start3A_401 = arith.constant 0 : i32
          %dma_start3A_402 = arith.constant 0 : i32
          %dma_start3A_403 = tpu.memref_slice %arg5[%dma_start3A_393, %dma_start3A_401, %dma_start3A_402] : memref<8x8x1024xf32, #tpu.memory_space<vmem>> -> memref<1x8x1024xf32, #tpu.memory_space<vmem>>
          %dma_start3A_404 = tpu.memref_squeeze %dma_start3A_403 : memref<1x8x1024xf32, #tpu.memory_space<vmem>> -> memref<8x1024xf32, #tpu.memory_space<vmem>>
          %dma_start3A_405 = arith.constant 0 : i32
          %dma_start3A_406 = tpu.memref_slice %arg3[%shift_right_arithmetic3A_388, %and3A_390, %dma_start3A_405, %multiple_of3A_392] : memref<26x4x8x100000xf32, #tpu.memory_space<hbm>> -> memref<1x1x8x1024xf32, #tpu.memory_space<hbm>>
          %dma_start3A_407 = tpu.memref_squeeze %dma_start3A_406 : memref<1x1x8x1024xf32, #tpu.memory_space<hbm>> -> memref<8x1024xf32, #tpu.memory_space<hbm>>
          tpu.enqueue_dma source(%dma_start3A_407 : memref<8x1024xf32, #tpu.memory_space<hbm>>) target(%dma_start3A_404 : memref<8x1024xf32, #tpu.memory_space<vmem>>) target_semaphore(%arg14 : memref<!tpu.dma_semaphore, #tpu.memory_space<semaphore_mem>>)
          %shift_right_arithmetic3A_408 = arith.constant 2 : i32
          %shift_right_arithmetic3A_409 = arith.shrsi %add3A_21, %shift_right_arithmetic3A_408 : i32
          %and3A_410 = arith.constant 3 : i32
          %and3A_411 = arith.andi %add3A_21, %and3A_410 : i32
          %multiple_of3A_412 = arith.constant 5120 : i32
          %multiple_of3A_413 = tpu.assume_multiple %multiple_of3A_412, 128 : i32
          %dma_start3A_414 = arith.constant 5 : i32
          %dma_start3A_415 = arith.constant 0 : i32
          %dma_start3A_416 = arith.constant 0 : i32
          %dma_start3A_417 = tpu.memref_slice %arg5[%dma_start3A_414, %dma_start3A_415, %dma_start3A_416] : memref<8x8x1024xf32, #tpu.memory_space<vmem>> -> memref<1x8x1024xf32, #tpu.memory_space<vmem>>
          %dma_start3A_418 = tpu.memref_squeeze %dma_start3A_417 : memref<1x8x1024xf32, #tpu.memory_space<vmem>> -> memref<8x1024xf32, #tpu.memory_space<vmem>>
          %dma_start3A_419 = arith.constant 0 : i32
          %dma_start3A_420 = tpu.memref_slice %arg3[%shift_right_arithmetic3A_409, %and3A_411, %dma_start3A_419, %multiple_of3A_413] : memref<26x4x8x100000xf32, #tpu.memory_space<hbm>> -> memref<1x1x8x1024xf32, #tpu.memory_space<hbm>>
          %dma_start3A_421 = tpu.memref_squeeze %dma_start3A_420 : memref<1x1x8x1024xf32, #tpu.memory_space<hbm>> -> memref<8x1024xf32, #tpu.memory_space<hbm>>
          %dma_start3A_422 = arith.constant 0 : i32
          %dma_start3A_423 = arith.constant 0 : i32
          %dma_start3A_424 = tpu.memref_slice %arg5[%dma_start3A_414, %dma_start3A_422, %dma_start3A_423] : memref<8x8x1024xf32, #tpu.memory_space<vmem>> -> memref<1x8x1024xf32, #tpu.memory_space<vmem>>
          %dma_start3A_425 = tpu.memref_squeeze %dma_start3A_424 : memref<1x8x1024xf32, #tpu.memory_space<vmem>> -> memref<8x1024xf32, #tpu.memory_space<vmem>>
          %dma_start3A_426 = arith.constant 0 : i32
          %dma_start3A_427 = tpu.memref_slice %arg3[%shift_right_arithmetic3A_409, %and3A_411, %dma_start3A_426, %multiple_of3A_413] : memref<26x4x8x100000xf32, #tpu.memory_space<hbm>> -> memref<1x1x8x1024xf32, #tpu.memory_space<hbm>>
          %dma_start3A_428 = tpu.memref_squeeze %dma_start3A_427 : memref<1x1x8x1024xf32, #tpu.memory_space<hbm>> -> memref<8x1024xf32, #tpu.memory_space<hbm>>
          tpu.enqueue_dma source(%dma_start3A_428 : memref<8x1024xf32, #tpu.memory_space<hbm>>) target(%dma_start3A_425 : memref<8x1024xf32, #tpu.memory_space<vmem>>) target_semaphore(%arg14 : memref<!tpu.dma_semaphore, #tpu.memory_space<semaphore_mem>>)
          %shift_right_arithmetic3A_429 = arith.constant 2 : i32
          %shift_right_arithmetic3A_430 = arith.shrsi %add3A_21, %shift_right_arithmetic3A_429 : i32
          %and3A_431 = arith.constant 3 : i32
          %and3A_432 = arith.andi %add3A_21, %and3A_431 : i32
          %multiple_of3A_433 = arith.constant 6144 : i32
          %multiple_of3A_434 = tpu.assume_multiple %multiple_of3A_433, 128 : i32
          %dma_start3A_435 = arith.constant 6 : i32
          %dma_start3A_436 = arith.constant 0 : i32
          %dma_start3A_437 = arith.constant 0 : i32
          %dma_start3A_438 = tpu.memref_slice %arg5[%dma_start3A_435, %dma_start3A_436, %dma_start3A_437] : memref<8x8x1024xf32, #tpu.memory_space<vmem>> -> memref<1x8x1024xf32, #tpu.memory_space<vmem>>
          %dma_start3A_439 = tpu.memref_squeeze %dma_start3A_438 : memref<1x8x1024xf32, #tpu.memory_space<vmem>> -> memref<8x1024xf32, #tpu.memory_space<vmem>>
          %dma_start3A_440 = arith.constant 0 : i32
          %dma_start3A_441 = tpu.memref_slice %arg3[%shift_right_arithmetic3A_430, %and3A_432, %dma_start3A_440, %multiple_of3A_434] : memref<26x4x8x100000xf32, #tpu.memory_space<hbm>> -> memref<1x1x8x1024xf32, #tpu.memory_space<hbm>>
          %dma_start3A_442 = tpu.memref_squeeze %dma_start3A_441 : memref<1x1x8x1024xf32, #tpu.memory_space<hbm>> -> memref<8x1024xf32, #tpu.memory_space<hbm>>
          %dma_start3A_443 = arith.constant 0 : i32
          %dma_start3A_444 = arith.constant 0 : i32
          %dma_start3A_445 = tpu.memref_slice %arg5[%dma_start3A_435, %dma_start3A_443, %dma_start3A_444] : memref<8x8x1024xf32, #tpu.memory_space<vmem>> -> memref<1x8x1024xf32, #tpu.memory_space<vmem>>
          %dma_start3A_446 = tpu.memref_squeeze %dma_start3A_445 : memref<1x8x1024xf32, #tpu.memory_space<vmem>> -> memref<8x1024xf32, #tpu.memory_space<vmem>>
          %dma_start3A_447 = arith.constant 0 : i32
          %dma_start3A_448 = tpu.memref_slice %arg3[%shift_right_arithmetic3A_430, %and3A_432, %dma_start3A_447, %multiple_of3A_434] : memref<26x4x8x100000xf32, #tpu.memory_space<hbm>> -> memref<1x1x8x1024xf32, #tpu.memory_space<hbm>>
          %dma_start3A_449 = tpu.memref_squeeze %dma_start3A_448 : memref<1x1x8x1024xf32, #tpu.memory_space<hbm>> -> memref<8x1024xf32, #tpu.memory_space<hbm>>
          tpu.enqueue_dma source(%dma_start3A_449 : memref<8x1024xf32, #tpu.memory_space<hbm>>) target(%dma_start3A_446 : memref<8x1024xf32, #tpu.memory_space<vmem>>) target_semaphore(%arg14 : memref<!tpu.dma_semaphore, #tpu.memory_space<semaphore_mem>>)
          %shift_right_arithmetic3A_450 = arith.constant 2 : i32
          %shift_right_arithmetic3A_451 = arith.shrsi %add3A_21, %shift_right_arithmetic3A_450 : i32
          %and3A_452 = arith.constant 3 : i32
          %and3A_453 = arith.andi %add3A_21, %and3A_452 : i32
          %multiple_of3A_454 = arith.constant 7168 : i32
          %multiple_of3A_455 = tpu.assume_multiple %multiple_of3A_454, 128 : i32
          %dma_start3A_456 = arith.constant 7 : i32
          %dma_start3A_457 = arith.constant 0 : i32
          %dma_start3A_458 = arith.constant 0 : i32
          %dma_start3A_459 = tpu.memref_slice %arg5[%dma_start3A_456, %dma_start3A_457, %dma_start3A_458] : memref<8x8x1024xf32, #tpu.memory_space<vmem>> -> memref<1x8x1024xf32, #tpu.memory_space<vmem>>
          %dma_start3A_460 = tpu.memref_squeeze %dma_start3A_459 : memref<1x8x1024xf32, #tpu.memory_space<vmem>> -> memref<8x1024xf32, #tpu.memory_space<vmem>>
          %dma_start3A_461 = arith.constant 0 : i32
          %dma_start3A_462 = tpu.memref_slice %arg3[%shift_right_arithmetic3A_451, %and3A_453, %dma_start3A_461, %multiple_of3A_455] : memref<26x4x8x100000xf32, #tpu.memory_space<hbm>> -> memref<1x1x8x1024xf32, #tpu.memory_space<hbm>>
          %dma_start3A_463 = tpu.memref_squeeze %dma_start3A_462 : memref<1x1x8x1024xf32, #tpu.memory_space<hbm>> -> memref<8x1024xf32, #tpu.memory_space<hbm>>
          %dma_start3A_464 = arith.constant 0 : i32
          %dma_start3A_465 = arith.constant 0 : i32
          %dma_start3A_466 = tpu.memref_slice %arg5[%dma_start3A_456, %dma_start3A_464, %dma_start3A_465] : memref<8x8x1024xf32, #tpu.memory_space<vmem>> -> memref<1x8x1024xf32, #tpu.memory_space<vmem>>
          %dma_start3A_467 = tpu.memref_squeeze %dma_start3A_466 : memref<1x8x1024xf32, #tpu.memory_space<vmem>> -> memref<8x1024xf32, #tpu.memory_space<vmem>>
          %dma_start3A_468 = arith.constant 0 : i32
          %dma_start3A_469 = tpu.memref_slice %arg3[%shift_right_arithmetic3A_451, %and3A_453, %dma_start3A_468, %multiple_of3A_455] : memref<26x4x8x100000xf32, #tpu.memory_space<hbm>> -> memref<1x1x8x1024xf32, #tpu.memory_space<hbm>>
          %dma_start3A_470 = tpu.memref_squeeze %dma_start3A_469 : memref<1x1x8x1024xf32, #tpu.memory_space<hbm>> -> memref<8x1024xf32, #tpu.memory_space<hbm>>
          tpu.enqueue_dma source(%dma_start3A_470 : memref<8x1024xf32, #tpu.memory_space<hbm>>) target(%dma_start3A_467 : memref<8x1024xf32, #tpu.memory_space<vmem>>) target_semaphore(%arg14 : memref<!tpu.dma_semaphore, #tpu.memory_space<semaphore_mem>>)
        } else {
        }
        %mul3A_31 = arith.constant 4096 : i32
        %mul3A_32 = arith.muli %shift_right_arithmetic3A_25, %mul3A_31 : i32
        %multiple_of3A = tpu.assume_multiple %mul3A_32, 128 : i32
        "tpu.region"() ({
          %run_scoped3A = tpu.sem_alloc : memref<!tpu.dma_semaphore, #tpu.memory_space<semaphore_mem>>
          %dma_start3A_303 = tpu.memref_slice %arg2[%multiple_of3A] : memref<106496xi32, #tpu.memory_space<hbm>> -> memref<4096xi32, #tpu.memory_space<hbm>>
          %dma_start3A_304 = tpu.memref_slice %arg2[%multiple_of3A] : memref<106496xi32, #tpu.memory_space<hbm>> -> memref<4096xi32, #tpu.memory_space<hbm>>
          tpu.enqueue_dma source(%dma_start3A_304 : memref<4096xi32, #tpu.memory_space<hbm>>) target(%arg8 : memref<4096xi32, #tpu.memory_space<vmem>>) target_semaphore(%run_scoped3A : memref<!tpu.dma_semaphore, #tpu.memory_space<semaphore_mem>>)
          %dma_wait3A_305 = tpu.memref_slice %arg2[%multiple_of3A] : memref<106496xi32, #tpu.memory_space<hbm>> -> memref<4096xi32, #tpu.memory_space<hbm>>
          %dma_wait3A_306 = tpu.memref_slice %arg2[%multiple_of3A] : memref<106496xi32, #tpu.memory_space<hbm>> -> memref<4096xi32, #tpu.memory_space<hbm>>
          tpu.wait_dma2 semaphore(%run_scoped3A : memref<!tpu.dma_semaphore, #tpu.memory_space<semaphore_mem>>) src(%dma_wait3A_306 : memref<4096xi32, #tpu.memory_space<hbm>>) dst(%arg8 : memref<4096xi32, #tpu.memory_space<vmem>>)
          tpu.yield
        }) : () -> ()
        %swap3A = arith.constant 0 : index
        %swap3A_33 = tpu.vector_load %arg11[%swap3A] {strides = array<i32>} : memref<112xi32, #tpu.memory_space<vmem>>, vector<16xi32>,
        tpu.vector_store %arg11[%swap3A], %broadcast_in_dim3A_1 {strides = array<i32>} : memref<112xi32, #tpu.memory_space<vmem>>, vector<16xi32>,
        %swap3A_34 = arith.constant 16 : index
        %swap3A_35 = tpu.vector_load %arg11[%swap3A_34] {strides = array<i32>} : memref<112xi32, #tpu.memory_space<vmem>>, vector<16xi32>,
        tpu.vector_store %arg11[%swap3A_34], %broadcast_in_dim3A_1 {strides = array<i32>} : memref<112xi32, #tpu.memory_space<vmem>>, vector<16xi32>,
        %swap3A_36 = arith.constant 32 : index
        %swap3A_37 = tpu.vector_load %arg11[%swap3A_36] {strides = array<i32>} : memref<112xi32, #tpu.memory_space<vmem>>, vector<16xi32>,
        tpu.vector_store %arg11[%swap3A_36], %broadcast_in_dim3A_1 {strides = array<i32>} : memref<112xi32, #tpu.memory_space<vmem>>, vector<16xi32>,
        %swap3A_38 = arith.constant 48 : index
        %swap3A_39 = tpu.vector_load %arg11[%swap3A_38] {strides = array<i32>} : memref<112xi32, #tpu.memory_space<vmem>>, vector<16xi32>,
        tpu.vector_store %arg11[%swap3A_38], %broadcast_in_dim3A_1 {strides = array<i32>} : memref<112xi32, #tpu.memory_space<vmem>>, vector<16xi32>,
        %swap3A_40 = arith.constant 64 : index
        %swap3A_41 = tpu.vector_load %arg11[%swap3A_40] {strides = array<i32>} : memref<112xi32, #tpu.memory_space<vmem>>, vector<16xi32>,
        tpu.vector_store %arg11[%swap3A_40], %broadcast_in_dim3A_1 {strides = array<i32>} : memref<112xi32, #tpu.memory_space<vmem>>, vector<16xi32>,
        %swap3A_42 = arith.constant 80 : index
        %swap3A_43 = tpu.vector_load %arg11[%swap3A_42] {strides = array<i32>} : memref<112xi32, #tpu.memory_space<vmem>>, vector<16xi32>,
        tpu.vector_store %arg11[%swap3A_42], %broadcast_in_dim3A_1 {strides = array<i32>} : memref<112xi32, #tpu.memory_space<vmem>>, vector<16xi32>,
        %swap3A_44 = arith.constant 96 : index
        %swap3A_45 = tpu.vector_load %arg11[%swap3A_44] {strides = array<i32>} : memref<112xi32, #tpu.memory_space<vmem>>, vector<16xi32>,
        tpu.vector_store %arg11[%swap3A_44], %broadcast_in_dim3A_1 {strides = array<i32>} : memref<112xi32, #tpu.memory_space<vmem>>, vector<16xi32>,
        %scan3A_46 = arith.constant 0 : i32
        %scan3A_47 = arith.constant 0 : i32
        %scan3A_48 = arith.constant 256 : i32
        %scan3A_49 = arith.addi %scan3A_47, %scan3A_48 : i32
        %scan3A_50 = arith.constant 1 : i32
        %scan3A_51 = scf.for %scan3A_303 = %scan3A_47 to %scan3A_49 step %scan3A_50 iter_args(%scan3A_304 = %scan3A_46) -> (i32)  : i32 {
          %mul3A_305 = arith.constant 16 : i32
          %mul3A_306 = arith.muli %scan3A_303, %mul3A_305 : i32
          %get3A_307 = arith.index_cast %mul3A_306 : i32 to index
          %get3A_308 = tpu.vector_load %arg8[%get3A_307] {strides = array<i32>} : memref<4096xi32, #tpu.memory_space<vmem>>, vector<16xi32>,
          %shift_right_arithmetic3A_309 = arith.constant 10 : i32
          %shift_right_arithmetic3A_310 = vector.broadcast %shift_right_arithmetic3A_309 : i32 to vector<16xi32>
          %shift_right_arithmetic3A_311 = arith.shrsi %get3A_308, %shift_right_arithmetic3A_310 : vector<16xi32>
          %broadcast_in_dim3A_312 = arith.constant true
          %broadcast_in_dim3A_313 = vector.broadcast %broadcast_in_dim3A_312 : i1 to vector<16xi1>
          %unique3A, %unique3A_314 = tpu.scan_count mask(%broadcast_in_dim3A_313 : vector<16xi1>) value(%shift_right_arithmetic3A_311 : vector<16xi32>) : vector<16xi1>, vector<16xi32>
          %sub3A_315 = arith.constant 0 : i32
          %sub3A_316 = vector.broadcast %sub3A_315 : i32 to vector<16xi32>
          %sub3A_317 = arith.subi %unique3A_314, %sub3A_316 : vector<16xi32>
          tpu.vector_store_idx %arg11[%shift_right_arithmetic3A_311], %sub3A_317 masked %unique3A {add = true} : memref<112xi32, #tpu.memory_space<vmem>>[vector<16xi32>], vector<16xi32>, vector<16xi1>
          %scan3A_318 = arith.constant 0 : i32
          scf.yield %scan3A_318 : i32
        }
        %scan3A_52 = arith.constant 256 : i32
        %get3A = arith.constant 0 : index
        %get3A_53 = tpu.vector_load %arg11[%get3A] {strides = array<i32>} : memref<112xi32, #tpu.memory_space<vmem>>, vector<16xi32>,
        %add3A_54 = arith.constant 15 : i32
        %add3A_55 = vector.broadcast %add3A_54 : i32 to vector<16xi32>
        %add3A_56 = arith.addi %get3A_53, %add3A_55 : vector<16xi32>
        %and3A_57 = arith.constant -16 : i32
        %and3A_58 = vector.broadcast %and3A_57 : i32 to vector<16xi32>
        %and3A_59 = arith.andi %add3A_56, %and3A_58 : vector<16xi32>
        %broadcast_in_dim3A_60 = arith.constant true
        %broadcast_in_dim3A_61 = vector.broadcast %broadcast_in_dim3A_60 : i1 to vector<16xi1>
        %masked_cumsum3A = tpu.scan <sum>, %and3A_59 masked %broadcast_in_dim3A_61 : vector<16xi32>, vector<16xi1> -> vector<16xi32>
        %sub3A = arith.subi %masked_cumsum3A, %and3A_59 : vector<16xi32>
        %add3A_62 = arith.constant 0 : i32
        %add3A_63 = vector.broadcast %add3A_62 : i32 to vector<16xi32>
        %add3A_64 = arith.addi %sub3A, %add3A_63 : vector<16xi32>
        %swap3A_65 = arith.constant 0 : index
        %swap3A_66 = tpu.vector_load %arg12[%swap3A_65] {strides = array<i32>} : memref<112xi32, #tpu.memory_space<vmem>>, vector<16xi32>,
        tpu.vector_store %arg12[%swap3A_65], %add3A_64 {strides = array<i32>} : memref<112xi32, #tpu.memory_space<vmem>>, vector<16xi32>,
        %swap3A_67 = arith.constant 0 : index
        %swap3A_68 = tpu.vector_load %arg13[%swap3A_67] {strides = array<i32>} : memref<112xi32, #tpu.memory_space<vmem>>, vector<16xi32>,
        tpu.vector_store %arg13[%swap3A_67], %add3A_64 {strides = array<i32>} : memref<112xi32, #tpu.memory_space<vmem>>, vector<16xi32>,
        %reduce_sum3A = arith.constant true
        %reduce_sum3A_69 = vector.broadcast %reduce_sum3A : i1 to vector<16xi1>
        %reduce_sum3A_70 = tpu.scan <sum>, %and3A_59 masked %reduce_sum3A_69 : vector<16xi32>, vector<16xi1> -> vector<16xi32>
        %reduce_sum3A_71 = vector.extract %reduce_sum3A_70[15] : i32 from vector<16xi32>
        %add3A_72 = arith.constant 0 : i32
        %add3A_73 = arith.addi %add3A_72, %reduce_sum3A_71 : i32
        %get3A_74 = arith.constant 16 : index
        %get3A_75 = tpu.vector_load %arg11[%get3A_74] {strides = array<i32>} : memref<112xi32, #tpu.memory_space<vmem>>, vector<16xi32>,
        %add3A_76 = arith.constant 15 : i32
        %add3A_77 = vector.broadcast %add3A_76 : i32 to vector<16xi32>
        %add3A_78 = arith.addi %get3A_75, %add3A_77 : vector<16xi32>
        %and3A_79 = arith.constant -16 : i32
        %and3A_80 = vector.broadcast %and3A_79 : i32 to vector<16xi32>
        %and3A_81 = arith.andi %add3A_78, %and3A_80 : vector<16xi32>
        %broadcast_in_dim3A_82 = arith.constant true
        %broadcast_in_dim3A_83 = vector.broadcast %broadcast_in_dim3A_82 : i1 to vector<16xi1>
        %masked_cumsum3A_84 = tpu.scan <sum>, %and3A_81 masked %broadcast_in_dim3A_83 : vector<16xi32>, vector<16xi1> -> vector<16xi32>
        %sub3A_85 = arith.subi %masked_cumsum3A_84, %and3A_81 : vector<16xi32>
        %add3A_86 = vector.broadcast %add3A_73 : i32 to vector<16xi32>
        %add3A_87 = arith.addi %sub3A_85, %add3A_86 : vector<16xi32>
        %swap3A_88 = arith.constant 16 : index
        %swap3A_89 = tpu.vector_load %arg12[%swap3A_88] {strides = array<i32>} : memref<112xi32, #tpu.memory_space<vmem>>, vector<16xi32>,
        tpu.vector_store %arg12[%swap3A_88], %add3A_87 {strides = array<i32>} : memref<112xi32, #tpu.memory_space<vmem>>, vector<16xi32>,
        %swap3A_90 = arith.constant 16 : index
        %swap3A_91 = tpu.vector_load %arg13[%swap3A_90] {strides = array<i32>} : memref<112xi32, #tpu.memory_space<vmem>>, vector<16xi32>,
        tpu.vector_store %arg13[%swap3A_90], %add3A_87 {strides = array<i32>} : memref<112xi32, #tpu.memory_space<vmem>>, vector<16xi32>,
        %reduce_sum3A_92 = arith.constant true
        %reduce_sum3A_93 = vector.broadcast %reduce_sum3A_92 : i1 to vector<16xi1>
        %reduce_sum3A_94 = tpu.scan <sum>, %and3A_81 masked %reduce_sum3A_93 : vector<16xi32>, vector<16xi1> -> vector<16xi32>
        %reduce_sum3A_95 = vector.extract %reduce_sum3A_94[15] : i32 from vector<16xi32>
        %add3A_96 = arith.addi %add3A_73, %reduce_sum3A_95 : i32
        %get3A_97 = arith.constant 32 : index
        %get3A_98 = tpu.vector_load %arg11[%get3A_97] {strides = array<i32>} : memref<112xi32, #tpu.memory_space<vmem>>, vector<16xi32>,
        %add3A_99 = arith.constant 15 : i32
        %add3A_100 = vector.broadcast %add3A_99 : i32 to vector<16xi32>
        %add3A_101 = arith.addi %get3A_98, %add3A_100 : vector<16xi32>
        %and3A_102 = arith.constant -16 : i32
        %and3A_103 = vector.broadcast %and3A_102 : i32 to vector<16xi32>
        %and3A_104 = arith.andi %add3A_101, %and3A_103 : vector<16xi32>
        %broadcast_in_dim3A_105 = arith.constant true
        %broadcast_in_dim3A_106 = vector.broadcast %broadcast_in_dim3A_105 : i1 to vector<16xi1>
        %masked_cumsum3A_107 = tpu.scan <sum>, %and3A_104 masked %broadcast_in_dim3A_106 : vector<16xi32>, vector<16xi1> -> vector<16xi32>
        %sub3A_108 = arith.subi %masked_cumsum3A_107, %and3A_104 : vector<16xi32>
        %add3A_109 = vector.broadcast %add3A_96 : i32 to vector<16xi32>
        %add3A_110 = arith.addi %sub3A_108, %add3A_109 : vector<16xi32>
        %swap3A_111 = arith.constant 32 : index
        %swap3A_112 = tpu.vector_load %arg12[%swap3A_111] {strides = array<i32>} : memref<112xi32, #tpu.memory_space<vmem>>, vector<16xi32>,
        tpu.vector_store %arg12[%swap3A_111], %add3A_110 {strides = array<i32>} : memref<112xi32, #tpu.memory_space<vmem>>, vector<16xi32>,
        %swap3A_113 = arith.constant 32 : index
        %swap3A_114 = tpu.vector_load %arg13[%swap3A_113] {strides = array<i32>} : memref<112xi32, #tpu.memory_space<vmem>>, vector<16xi32>,
        tpu.vector_store %arg13[%swap3A_113], %add3A_110 {strides = array<i32>} : memref<112xi32, #tpu.memory_space<vmem>>, vector<16xi32>,
        %reduce_sum3A_115 = arith.constant true
        %reduce_sum3A_116 = vector.broadcast %reduce_sum3A_115 : i1 to vector<16xi1>
        %reduce_sum3A_117 = tpu.scan <sum>, %and3A_104 masked %reduce_sum3A_116 : vector<16xi32>, vector<16xi1> -> vector<16xi32>
        %reduce_sum3A_118 = vector.extract %reduce_sum3A_117[15] : i32 from vector<16xi32>
        %add3A_119 = arith.addi %add3A_96, %reduce_sum3A_118 : i32
        %get3A_120 = arith.constant 48 : index
        %get3A_121 = tpu.vector_load %arg11[%get3A_120] {strides = array<i32>} : memref<112xi32, #tpu.memory_space<vmem>>, vector<16xi32>,
        %add3A_122 = arith.constant 15 : i32
        %add3A_123 = vector.broadcast %add3A_122 : i32 to vector<16xi32>
        %add3A_124 = arith.addi %get3A_121, %add3A_123 : vector<16xi32>
        %and3A_125 = arith.constant -16 : i32
        %and3A_126 = vector.broadcast %and3A_125 : i32 to vector<16xi32>
        %and3A_127 = arith.andi %add3A_124, %and3A_126 : vector<16xi32>
        %broadcast_in_dim3A_128 = arith.constant true
        %broadcast_in_dim3A_129 = vector.broadcast %broadcast_in_dim3A_128 : i1 to vector<16xi1>
        %masked_cumsum3A_130 = tpu.scan <sum>, %and3A_127 masked %broadcast_in_dim3A_129 : vector<16xi32>, vector<16xi1> -> vector<16xi32>
        %sub3A_131 = arith.subi %masked_cumsum3A_130, %and3A_127 : vector<16xi32>
        %add3A_132 = vector.broadcast %add3A_119 : i32 to vector<16xi32>
        %add3A_133 = arith.addi %sub3A_131, %add3A_132 : vector<16xi32>
        %swap3A_134 = arith.constant 48 : index
        %swap3A_135 = tpu.vector_load %arg12[%swap3A_134] {strides = array<i32>} : memref<112xi32, #tpu.memory_space<vmem>>, vector<16xi32>,
        tpu.vector_store %arg12[%swap3A_134], %add3A_133 {strides = array<i32>} : memref<112xi32, #tpu.memory_space<vmem>>, vector<16xi32>,
        %swap3A_136 = arith.constant 48 : index
        %swap3A_137 = tpu.vector_load %arg13[%swap3A_136] {strides = array<i32>} : memref<112xi32, #tpu.memory_space<vmem>>, vector<16xi32>,
        tpu.vector_store %arg13[%swap3A_136], %add3A_133 {strides = array<i32>} : memref<112xi32, #tpu.memory_space<vmem>>, vector<16xi32>,
        %reduce_sum3A_138 = arith.constant true
        %reduce_sum3A_139 = vector.broadcast %reduce_sum3A_138 : i1 to vector<16xi1>
        %reduce_sum3A_140 = tpu.scan <sum>, %and3A_127 masked %reduce_sum3A_139 : vector<16xi32>, vector<16xi1> -> vector<16xi32>
        %reduce_sum3A_141 = vector.extract %reduce_sum3A_140[15] : i32 from vector<16xi32>
        %add3A_142 = arith.addi %add3A_119, %reduce_sum3A_141 : i32
        %get3A_143 = arith.constant 64 : index
        %get3A_144 = tpu.vector_load %arg11[%get3A_143] {strides = array<i32>} : memref<112xi32, #tpu.memory_space<vmem>>, vector<16xi32>,
        %add3A_145 = arith.constant 15 : i32
        %add3A_146 = vector.broadcast %add3A_145 : i32 to vector<16xi32>
        %add3A_147 = arith.addi %get3A_144, %add3A_146 : vector<16xi32>
        %and3A_148 = arith.constant -16 : i32
        %and3A_149 = vector.broadcast %and3A_148 : i32 to vector<16xi32>
        %and3A_150 = arith.andi %add3A_147, %and3A_149 : vector<16xi32>
        %broadcast_in_dim3A_151 = arith.constant true
        %broadcast_in_dim3A_152 = vector.broadcast %broadcast_in_dim3A_151 : i1 to vector<16xi1>
        %masked_cumsum3A_153 = tpu.scan <sum>, %and3A_150 masked %broadcast_in_dim3A_152 : vector<16xi32>, vector<16xi1> -> vector<16xi32>
        %sub3A_154 = arith.subi %masked_cumsum3A_153, %and3A_150 : vector<16xi32>
        %add3A_155 = vector.broadcast %add3A_142 : i32 to vector<16xi32>
        %add3A_156 = arith.addi %sub3A_154, %add3A_155 : vector<16xi32>
        %swap3A_157 = arith.constant 64 : index
        %swap3A_158 = tpu.vector_load %arg12[%swap3A_157] {strides = array<i32>} : memref<112xi32, #tpu.memory_space<vmem>>, vector<16xi32>,
        tpu.vector_store %arg12[%swap3A_157], %add3A_156 {strides = array<i32>} : memref<112xi32, #tpu.memory_space<vmem>>, vector<16xi32>,
        %swap3A_159 = arith.constant 64 : index
        %swap3A_160 = tpu.vector_load %arg13[%swap3A_159] {strides = array<i32>} : memref<112xi32, #tpu.memory_space<vmem>>, vector<16xi32>,
        tpu.vector_store %arg13[%swap3A_159], %add3A_156 {strides = array<i32>} : memref<112xi32, #tpu.memory_space<vmem>>, vector<16xi32>,
        %reduce_sum3A_161 = arith.constant true
        %reduce_sum3A_162 = vector.broadcast %reduce_sum3A_161 : i1 to vector<16xi1>
        %reduce_sum3A_163 = tpu.scan <sum>, %and3A_150 masked %reduce_sum3A_162 : vector<16xi32>, vector<16xi1> -> vector<16xi32>
        %reduce_sum3A_164 = vector.extract %reduce_sum3A_163[15] : i32 from vector<16xi32>
        %add3A_165 = arith.addi %add3A_142, %reduce_sum3A_164 : i32
        %get3A_166 = arith.constant 80 : index
        %get3A_167 = tpu.vector_load %arg11[%get3A_166] {strides = array<i32>} : memref<112xi32, #tpu.memory_space<vmem>>, vector<16xi32>,
        %add3A_168 = arith.constant 15 : i32
        %add3A_169 = vector.broadcast %add3A_168 : i32 to vector<16xi32>
        %add3A_170 = arith.addi %get3A_167, %add3A_169 : vector<16xi32>
        %and3A_171 = arith.constant -16 : i32
        %and3A_172 = vector.broadcast %and3A_171 : i32 to vector<16xi32>
        %and3A_173 = arith.andi %add3A_170, %and3A_172 : vector<16xi32>
        %broadcast_in_dim3A_174 = arith.constant true
        %broadcast_in_dim3A_175 = vector.broadcast %broadcast_in_dim3A_174 : i1 to vector<16xi1>
        %masked_cumsum3A_176 = tpu.scan <sum>, %and3A_173 masked %broadcast_in_dim3A_175 : vector<16xi32>, vector<16xi1> -> vector<16xi32>
        %sub3A_177 = arith.subi %masked_cumsum3A_176, %and3A_173 : vector<16xi32>
        %add3A_178 = vector.broadcast %add3A_165 : i32 to vector<16xi32>
        %add3A_179 = arith.addi %sub3A_177, %add3A_178 : vector<16xi32>
        %swap3A_180 = arith.constant 80 : index
        %swap3A_181 = tpu.vector_load %arg12[%swap3A_180] {strides = array<i32>} : memref<112xi32, #tpu.memory_space<vmem>>, vector<16xi32>,
        tpu.vector_store %arg12[%swap3A_180], %add3A_179 {strides = array<i32>} : memref<112xi32, #tpu.memory_space<vmem>>, vector<16xi32>,
        %swap3A_182 = arith.constant 80 : index
        %swap3A_183 = tpu.vector_load %arg13[%swap3A_182] {strides = array<i32>} : memref<112xi32, #tpu.memory_space<vmem>>, vector<16xi32>,
        tpu.vector_store %arg13[%swap3A_182], %add3A_179 {strides = array<i32>} : memref<112xi32, #tpu.memory_space<vmem>>, vector<16xi32>,
        %reduce_sum3A_184 = arith.constant true
        %reduce_sum3A_185 = vector.broadcast %reduce_sum3A_184 : i1 to vector<16xi1>
        %reduce_sum3A_186 = tpu.scan <sum>, %and3A_173 masked %reduce_sum3A_185 : vector<16xi32>, vector<16xi1> -> vector<16xi32>
        %reduce_sum3A_187 = vector.extract %reduce_sum3A_186[15] : i32 from vector<16xi32>
        %add3A_188 = arith.addi %add3A_165, %reduce_sum3A_187 : i32
        %get3A_189 = arith.constant 96 : index
        %get3A_190 = tpu.vector_load %arg11[%get3A_189] {strides = array<i32>} : memref<112xi32, #tpu.memory_space<vmem>>, vector<16xi32>,
        %add3A_191 = arith.constant 15 : i32
        %add3A_192 = vector.broadcast %add3A_191 : i32 to vector<16xi32>
        %add3A_193 = arith.addi %get3A_190, %add3A_192 : vector<16xi32>
        %and3A_194 = arith.constant -16 : i32
        %and3A_195 = vector.broadcast %and3A_194 : i32 to vector<16xi32>
        %and3A_196 = arith.andi %add3A_193, %and3A_195 : vector<16xi32>
        %broadcast_in_dim3A_197 = arith.constant true
        %broadcast_in_dim3A_198 = vector.broadcast %broadcast_in_dim3A_197 : i1 to vector<16xi1>
        %masked_cumsum3A_199 = tpu.scan <sum>, %and3A_196 masked %broadcast_in_dim3A_198 : vector<16xi32>, vector<16xi1> -> vector<16xi32>
        %sub3A_200 = arith.subi %masked_cumsum3A_199, %and3A_196 : vector<16xi32>
        %add3A_201 = vector.broadcast %add3A_188 : i32 to vector<16xi32>
        %add3A_202 = arith.addi %sub3A_200, %add3A_201 : vector<16xi32>
        %swap3A_203 = arith.constant 96 : index
        %swap3A_204 = tpu.vector_load %arg12[%swap3A_203] {strides = array<i32>} : memref<112xi32, #tpu.memory_space<vmem>>, vector<16xi32>,
        tpu.vector_store %arg12[%swap3A_203], %add3A_202 {strides = array<i32>} : memref<112xi32, #tpu.memory_space<vmem>>, vector<16xi32>,
        %swap3A_205 = arith.constant 96 : index
        %swap3A_206 = tpu.vector_load %arg13[%swap3A_205] {strides = array<i32>} : memref<112xi32, #tpu.memory_space<vmem>>, vector<16xi32>,
        tpu.vector_store %arg13[%swap3A_205], %add3A_202 {strides = array<i32>} : memref<112xi32, #tpu.memory_space<vmem>>, vector<16xi32>,
        %reduce_sum3A_207 = arith.constant true
        %reduce_sum3A_208 = vector.broadcast %reduce_sum3A_207 : i1 to vector<16xi1>
        %reduce_sum3A_209 = tpu.scan <sum>, %and3A_196 masked %reduce_sum3A_208 : vector<16xi32>, vector<16xi1> -> vector<16xi32>
        %reduce_sum3A_210 = vector.extract %reduce_sum3A_209[15] : i32 from vector<16xi32>
        %add3A_211 = arith.addi %add3A_188, %reduce_sum3A_210 : i32
        %scan3A_212 = arith.constant 0 : i32
        %scan3A_213 = arith.constant 0 : i32
        %scan3A_214 = arith.constant 256 : i32
        %scan3A_215 = arith.addi %scan3A_213, %scan3A_214 : i32
        %scan3A_216 = arith.constant 1 : i32
        %scan3A_217 = scf.for %scan3A_303 = %scan3A_213 to %scan3A_215 step %scan3A_216 iter_args(%scan3A_304 = %scan3A_212) -> (i32)  : i32 {
          %mul3A_305 = arith.constant 16 : i32
          %mul3A_306 = arith.muli %scan3A_303, %mul3A_305 : i32
          %get3A_307 = arith.index_cast %mul3A_306 : i32 to index
          %get3A_308 = tpu.vector_load %arg8[%get3A_307] {strides = array<i32>} : memref<4096xi32, #tpu.memory_space<vmem>>, vector<16xi32>,
          %mul3A_309 = arith.constant 16 : i32
          %mul3A_310 = arith.muli %scan3A_303, %mul3A_309 : i32
          %add3A_311 = vector.broadcast %mul3A_310 : i32 to vector<16xi32>
          %add3A_312 = arith.addi %add3A_311, %iota3A : vector<16xi32>
          %shift_right_arithmetic3A_313 = arith.constant 10 : i32
          %shift_right_arithmetic3A_314 = vector.broadcast %shift_right_arithmetic3A_313 : i32 to vector<16xi32>
          %shift_right_arithmetic3A_315 = arith.shrsi %get3A_308, %shift_right_arithmetic3A_314 : vector<16xi32>
          %broadcast_in_dim3A_316 = arith.constant true
          %broadcast_in_dim3A_317 = vector.broadcast %broadcast_in_dim3A_316 : i1 to vector<16xi1>
          %unique3A, %unique3A_318 = tpu.scan_count mask(%broadcast_in_dim3A_317 : vector<16xi1>) value(%shift_right_arithmetic3A_315 : vector<16xi32>) : vector<16xi1>, vector<16xi32>
          %gather3A = tpu.vector_load_idx %arg13[%shift_right_arithmetic3A_315] : memref<112xi32, #tpu.memory_space<vmem>>[vector<16xi32>], vector<16xi32>,
          %sub3A_319 = arith.constant 1 : i32
          %sub3A_320 = vector.broadcast %sub3A_319 : i32 to vector<16xi32>
          %sub3A_321 = arith.subi %unique3A_318, %sub3A_320 : vector<16xi32>
          %add3A_322 = arith.addi %gather3A, %sub3A_321 : vector<16xi32>
          tpu.vector_store_idx %arg9[%add3A_322], %get3A_308 : memref<5568xi32, #tpu.memory_space<vmem>>[vector<16xi32>], vector<16xi32>,
          tpu.vector_store_idx %arg10[%add3A_322], %add3A_312 : memref<5568xi32, #tpu.memory_space<vmem>>[vector<16xi32>], vector<16xi32>,
          %sub3A_323 = arith.constant 0 : i32
          %sub3A_324 = vector.broadcast %sub3A_323 : i32 to vector<16xi32>
          %sub3A_325 = arith.subi %unique3A_318, %sub3A_324 : vector<16xi32>
          tpu.vector_store_idx %arg13[%shift_right_arithmetic3A_315], %sub3A_325 masked %unique3A {add = true} : memref<112xi32, #tpu.memory_space<vmem>>[vector<16xi32>], vector<16xi32>, vector<16xi1>
          %scan3A_326 = arith.constant 0 : i32
          scf.yield %scan3A_326 : i32
        }
        %scan3A_218 = arith.constant 256 : i32
        %gt3A = arith.constant 0 : i32
        %gt3A_219 = arith.cmpi sgt, %scan3A_17, %gt3A : i32
        %convert_element_type3A_220 = arith.extui %gt3A_219 : i1 to i32
        %cond3A_221 = arith.constant 0 : i32
        %cond3A_222 = arith.cmpi ne, %convert_element_type3A_220, %cond3A_221 : i32
        scf.if %cond3A_222 {
          %dma_wait3A_303 = arith.constant 0 : i32
          %dma_wait3A_304 = arith.constant 0 : i32
          %dma_wait3A_305 = arith.constant 0 : i32
          %dma_wait3A_306 = arith.constant 0 : i32
          %dma_wait3A_307 = tpu.memref_slice %arg4[%dma_wait3A_303, %dma_wait3A_304, %dma_wait3A_305, %dma_wait3A_306] : memref<26x4x8x4096xf32, #tpu.memory_space<hbm>> -> memref<1x1x8x4096xf32, #tpu.memory_space<hbm>>
          %dma_wait3A_308 = tpu.memref_squeeze %dma_wait3A_307 : memref<1x1x8x4096xf32, #tpu.memory_space<hbm>> -> memref<8x4096xf32, #tpu.memory_space<hbm>>
          %dma_wait3A_309 = arith.constant 0 : i32
          %dma_wait3A_310 = arith.constant 0 : i32
          %dma_wait3A_311 = tpu.memref_slice %arg4[%dma_wait3A_303, %dma_wait3A_304, %dma_wait3A_309, %dma_wait3A_310] : memref<26x4x8x4096xf32, #tpu.memory_space<hbm>> -> memref<1x1x8x4096xf32, #tpu.memory_space<hbm>>
          %dma_wait3A_312 = tpu.memref_squeeze %dma_wait3A_311 : memref<1x1x8x4096xf32, #tpu.memory_space<hbm>> -> memref<8x4096xf32, #tpu.memory_space<hbm>>
          tpu.wait_dma2 semaphore(%arg15 : memref<!tpu.dma_semaphore, #tpu.memory_space<semaphore_mem>>) src(%dma_wait3A_312 : memref<8x4096xf32, #tpu.memory_space<hbm>>) dst(%arg7 : memref<8x4096xf32, #tpu.memory_space<vmem>>)
        } else {
        }
        %scan3A_223 = arith.constant 0 : i32
        %scan3A_224 = arith.constant 0 : i32
        %scan3A_225 = arith.constant 97 : i32
        %scan3A_226 = arith.addi %scan3A_224, %scan3A_225 : i32
        %scan3A_227 = arith.constant 1 : i32
        %scan3A_228 = scf.for %scan3A_303 = %scan3A_224 to %scan3A_226 step %scan3A_227 iter_args(%scan3A_304 = %scan3A_223) -> (i32)  : i32 {
          %dma_wait3A_305 = arith.constant 0 : i32
          %dma_wait3A_306 = arith.constant 0 : i32
          %dma_wait3A_307 = arith.constant 0 : i32
          %dma_wait3A_308 = arith.constant 0 : i32
          %dma_wait3A_309 = arith.constant 0 : i32
          %dma_wait3A_310 = tpu.memref_slice %arg5[%dma_wait3A_307, %dma_wait3A_308, %dma_wait3A_309] : memref<8x8x1024xf32, #tpu.memory_space<vmem>> -> memref<1x8x1024xf32, #tpu.memory_space<vmem>>
          %dma_wait3A_311 = tpu.memref_squeeze %dma_wait3A_310 : memref<1x8x1024xf32, #tpu.memory_space<vmem>> -> memref<8x1024xf32, #tpu.memory_space<vmem>>
          %dma_wait3A_312 = arith.constant 0 : i32
          %dma_wait3A_313 = arith.constant 0 : i32
          %dma_wait3A_314 = tpu.memref_slice %arg3[%dma_wait3A_305, %dma_wait3A_306, %dma_wait3A_312, %dma_wait3A_313] : memref<26x4x8x100000xf32, #tpu.memory_space<hbm>> -> memref<1x1x8x1024xf32, #tpu.memory_space<hbm>>
          %dma_wait3A_315 = tpu.memref_squeeze %dma_wait3A_314 : memref<1x1x8x1024xf32, #tpu.memory_space<hbm>> -> memref<8x1024xf32, #tpu.memory_space<hbm>>
          %dma_wait3A_316 = arith.constant 0 : i32
          %dma_wait3A_317 = arith.constant 0 : i32
          %dma_wait3A_318 = tpu.memref_slice %arg5[%dma_wait3A_307, %dma_wait3A_316, %dma_wait3A_317] : memref<8x8x1024xf32, #tpu.memory_space<vmem>> -> memref<1x8x1024xf32, #tpu.memory_space<vmem>>
          %dma_wait3A_319 = tpu.memref_squeeze %dma_wait3A_318 : memref<1x8x1024xf32, #tpu.memory_space<vmem>> -> memref<8x1024xf32, #tpu.memory_space<vmem>>
          %dma_wait3A_320 = arith.constant 0 : i32
          %dma_wait3A_321 = arith.constant 0 : i32
          %dma_wait3A_322 = tpu.memref_slice %arg3[%dma_wait3A_305, %dma_wait3A_306, %dma_wait3A_320, %dma_wait3A_321] : memref<26x4x8x100000xf32, #tpu.memory_space<hbm>> -> memref<1x1x8x1024xf32, #tpu.memory_space<hbm>>
          %dma_wait3A_323 = tpu.memref_squeeze %dma_wait3A_322 : memref<1x1x8x1024xf32, #tpu.memory_space<hbm>> -> memref<8x1024xf32, #tpu.memory_space<hbm>>
          tpu.wait_dma2 semaphore(%arg14 : memref<!tpu.dma_semaphore, #tpu.memory_space<semaphore_mem>>) src(%dma_wait3A_323 : memref<8x1024xf32, #tpu.memory_space<hbm>>) dst(%dma_wait3A_319 : memref<8x1024xf32, #tpu.memory_space<vmem>>)
          %and3A_324 = arith.constant 7 : i32
          %and3A_325 = arith.andi %scan3A_303, %and3A_324 : i32
          %shift_right_arithmetic3A_326 = arith.constant 4 : i32
          %shift_right_arithmetic3A_327 = arith.shrsi %scan3A_303, %shift_right_arithmetic3A_326 : i32
          %mul3A_328 = arith.constant 16 : i32
          %mul3A_329 = arith.muli %shift_right_arithmetic3A_327, %mul3A_328 : i32
          %multiple_of3A_330 = tpu.assume_multiple %mul3A_329, 8 : i32
          %get3A_331 = arith.index_cast %multiple_of3A_330 : i32 to index
          %get3A_332 = tpu.vector_load %arg12[%get3A_331] {strides = array<i32>} : memref<112xi32, #tpu.memory_space<vmem>>, vector<16xi32>,
          %and3A_333 = arith.constant 15 : i32
          %and3A_334 = arith.andi %scan3A_303, %and3A_333 : i32
          %eq3A_335 = vector.broadcast %and3A_334 : i32 to vector<16xi32>
          %eq3A_336 = arith.cmpi eq, %iota3A, %eq3A_335 : vector<16xi32>
          %jit3A_337 = arith.constant 0 : i32
          %broadcast_in_dim3A_338 = vector.broadcast %jit3A_337 : i32 to vector<16xi32>
          %select_n3A_339 = arith.select %eq3A_336, %get3A_332, %broadcast_in_dim3A_338 : vector<16xi1>, vector<16xi32>
          %reduce_max3A_340 = arith.constant true
          %reduce_max3A_341 = vector.broadcast %reduce_max3A_340 : i1 to vector<16xi1>
          %reduce_max3A_342 = arith.constant -2147483648 : i32
          %reduce_max3A_343 = vector.broadcast %reduce_max3A_342 : i32 to vector<16xi32>
          %reduce_max3A_344 = arith.xori %select_n3A_339, %reduce_max3A_343 : vector<16xi32>
          %reduce_max3A_345 = tpu.scan <max>, %reduce_max3A_344 masked %reduce_max3A_341 : vector<16xi32>, vector<16xi1> -> vector<16xi32>
          %reduce_max3A_346 = arith.xori %reduce_max3A_345, %reduce_max3A_343 : vector<16xi32>
          %reduce_max3A_347 = vector.extract %reduce_max3A_346[15] : i32 from vector<16xi32>
          %multiple_of3A_348 = tpu.assume_multiple %reduce_max3A_347, 8 : i32
          %shift_right_arithmetic3A_349 = arith.constant 4 : i32
          %shift_right_arithmetic3A_350 = arith.shrsi %scan3A_303, %shift_right_arithmetic3A_349 : i32
          %mul3A_351 = arith.constant 16 : i32
          %mul3A_352 = arith.muli %shift_right_arithmetic3A_350, %mul3A_351 : i32
          %multiple_of3A_353 = tpu.assume_multiple %mul3A_352, 8 : i32
          %get3A_354 = arith.index_cast %multiple_of3A_353 : i32 to index
          %get3A_355 = tpu.vector_load %arg11[%get3A_354] {strides = array<i32>} : memref<112xi32, #tpu.memory_space<vmem>>, vector<16xi32>,
          %and3A_356 = arith.constant 15 : i32
          %and3A_357 = arith.andi %scan3A_303, %and3A_356 : i32
          %eq3A_358 = vector.broadcast %and3A_357 : i32 to vector<16xi32>
          %eq3A_359 = arith.cmpi eq, %iota3A, %eq3A_358 : vector<16xi32>
          %jit3A_360 = arith.constant 0 : i32
          %broadcast_in_dim3A_361 = vector.broadcast %jit3A_360 : i32 to vector<16xi32>
          %select_n3A_362 = arith.select %eq3A_359, %get3A_355, %broadcast_in_dim3A_361 : vector<16xi1>, vector<16xi32>
          %reduce_max3A_363 = arith.constant true
          %reduce_max3A_364 = vector.broadcast %reduce_max3A_363 : i1 to vector<16xi1>
          %reduce_max3A_365 = arith.constant -2147483648 : i32
          %reduce_max3A_366 = vector.broadcast %reduce_max3A_365 : i32 to vector<16xi32>
          %reduce_max3A_367 = arith.xori %select_n3A_362, %reduce_max3A_366 : vector<16xi32>
          %reduce_max3A_368 = tpu.scan <max>, %reduce_max3A_367 masked %reduce_max3A_364 : vector<16xi32>, vector<16xi1> -> vector<16xi32>
          %reduce_max3A_369 = arith.xori %reduce_max3A_368, %reduce_max3A_366 : vector<16xi32>
          %reduce_max3A_370 = vector.extract %reduce_max3A_369[15] : i32 from vector<16xi32>
          %mul3A_371 = arith.constant 1024 : i32
          %mul3A_372 = arith.muli %scan3A_303, %mul3A_371 : i32
          %add3A_373 = arith.constant 15 : i32
          %add3A_374 = arith.addi %reduce_max3A_370, %add3A_373 : i32
          %shift_right_arithmetic3A_375 = arith.constant 4 : i32
          %shift_right_arithmetic3A_376 = arith.shrsi %add3A_374, %shift_right_arithmetic3A_375 : i32
          %while3A_377 = arith.constant 0 : i32
          %while3A_378 = arith.constant 0 : i32
          %while3A_379 = arith.subi %shift_right_arithmetic3A_376, %while3A_377 : i32
          %while3A_380 = arith.addi %while3A_377, %while3A_379 : i32
          %while3A_381 = arith.constant 1 : i32
          %while3A_382 = arith.divsi %while3A_379, %while3A_381 : i32
          %while3A_383 = arith.muli %while3A_382, %while3A_381 : i32
          %while3A_384 = arith.addi %while3A_377, %while3A_383 : i32
          %while3A_385 = arith.constant 1 : i32
          %while3A_386 = scf.for %while3A_406 = %while3A_377 to %while3A_384 step %while3A_385 iter_args(%while3A_407 = %while3A_378) -> (i32)  : i32 {
            %mul3A_408 = arith.constant 16 : i32
            %mul3A_409 = arith.muli %while3A_406, %mul3A_408 : i32
            %add3A_410 = arith.addi %multiple_of3A_348, %mul3A_409 : i32
            %multiple_of3A_411 = tpu.assume_multiple %add3A_410, 8 : i32
            %get3A_412 = arith.index_cast %multiple_of3A_411 : i32 to index
            %get3A_413 = tpu.vector_load %arg9[%get3A_412] {strides = array<i32>} : memref<5568xi32, #tpu.memory_space<vmem>>, vector<16xi32>,
            %get3A_414 = arith.index_cast %multiple_of3A_411 : i32 to index
            %get3A_415 = tpu.vector_load %arg10[%get3A_414] {strides = array<i32>} : memref<5568xi32, #tpu.memory_space<vmem>>, vector<16xi32>,
            %mul3A_416 = arith.constant 16 : i32
            %mul3A_417 = arith.muli %while3A_406, %mul3A_416 : i32
            %add3A_418 = vector.broadcast %mul3A_417 : i32 to vector<16xi32>
            %add3A_419 = arith.addi %add3A_418, %iota3A : vector<16xi32>
            %lt3A_420 = vector.broadcast %reduce_max3A_370 : i32 to vector<16xi32>
            %lt3A_421 = arith.cmpi slt, %add3A_419, %lt3A_420 : vector<16xi32>
            %sub3A_422 = vector.broadcast %mul3A_372 : i32 to vector<16xi32>
            %sub3A_423 = arith.subi %get3A_413, %sub3A_422 : vector<16xi32>
            %broadcast_in_dim3A_424 = arith.constant 0 : i32
            %broadcast_in_dim3A_425 = vector.broadcast %broadcast_in_dim3A_424 : i32 to vector<16xi32>
            %gather3A = arith.constant 0 : i32
            %gather3A_426 = arith.constant 0 : i32
            %gather3A_427 = tpu.memref_slice %arg5[%and3A_325, %gather3A, %gather3A_426] : memref<8x8x1024xf32, #tpu.memory_space<vmem>> -> memref<1x8x1024xf32, #tpu.memory_space<vmem>>
            %gather3A_428 = tpu.memref_squeeze %gather3A_427 : memref<1x8x1024xf32, #tpu.memory_space<vmem>> -> memref<8x1024xf32, #tpu.memory_space<vmem>>
            %gather3A_429 = tpu.vector_load_idx %gather3A_428[%broadcast_in_dim3A_425, %sub3A_423] masked %lt3A_421 : memref<8x1024xf32, #tpu.memory_space<vmem>>[vector<16xi32>, vector<16xi32>], vector<16xf32>, vector<16xi1>
            tpu.vector_store_idx %arg7[%broadcast_in_dim3A_425, %get3A_415], %gather3A_429 masked %lt3A_421 : memref<8x4096xf32, #tpu.memory_space<vmem>>[vector<16xi32>, vector<16xi32>], vector<16xf32>, vector<16xi1>
            %broadcast_in_dim3A_430 = arith.constant 1 : i32
            %broadcast_in_dim3A_431 = vector.broadcast %broadcast_in_dim3A_430 : i32 to vector<16xi32>
            %gather3A_432 = arith.constant 0 : i32
            %gather3A_433 = arith.constant 0 : i32
            %gather3A_434 = tpu.memref_slice %arg5[%and3A_325, %gather3A_432, %gather3A_433] : memref<8x8x1024xf32, #tpu.memory_space<vmem>> -> memref<1x8x1024xf32, #tpu.memory_space<vmem>>
            %gather3A_435 = tpu.memref_squeeze %gather3A_434 : memref<1x8x1024xf32, #tpu.memory_space<vmem>> -> memref<8x1024xf32, #tpu.memory_space<vmem>>
            %gather3A_436 = tpu.vector_load_idx %gather3A_435[%broadcast_in_dim3A_431, %sub3A_423] masked %lt3A_421 : memref<8x1024xf32, #tpu.memory_space<vmem>>[vector<16xi32>, vector<16xi32>], vector<16xf32>, vector<16xi1>
            tpu.vector_store_idx %arg7[%broadcast_in_dim3A_431, %get3A_415], %gather3A_436 masked %lt3A_421 : memref<8x4096xf32, #tpu.memory_space<vmem>>[vector<16xi32>, vector<16xi32>], vector<16xf32>, vector<16xi1>
            %broadcast_in_dim3A_437 = arith.constant 2 : i32
            %broadcast_in_dim3A_438 = vector.broadcast %broadcast_in_dim3A_437 : i32 to vector<16xi32>
            %gather3A_439 = arith.constant 0 : i32
            %gather3A_440 = arith.constant 0 : i32
            %gather3A_441 = tpu.memref_slice %arg5[%and3A_325, %gather3A_439, %gather3A_440] : memref<8x8x1024xf32, #tpu.memory_space<vmem>> -> memref<1x8x1024xf32, #tpu.memory_space<vmem>>
            %gather3A_442 = tpu.memref_squeeze %gather3A_441 : memref<1x8x1024xf32, #tpu.memory_space<vmem>> -> memref<8x1024xf32, #tpu.memory_space<vmem>>
            %gather3A_443 = tpu.vector_load_idx %gather3A_442[%broadcast_in_dim3A_438, %sub3A_423] masked %lt3A_421 : memref<8x1024xf32, #tpu.memory_space<vmem>>[vector<16xi32>, vector<16xi32>], vector<16xf32>, vector<16xi1>
            tpu.vector_store_idx %arg7[%broadcast_in_dim3A_438, %get3A_415], %gather3A_443 masked %lt3A_421 : memref<8x4096xf32, #tpu.memory_space<vmem>>[vector<16xi32>, vector<16xi32>], vector<16xf32>, vector<16xi1>
            %broadcast_in_dim3A_444 = arith.constant 3 : i32
            %broadcast_in_dim3A_445 = vector.broadcast %broadcast_in_dim3A_444 : i32 to vector<16xi32>
            %gather3A_446 = arith.constant 0 : i32
            %gather3A_447 = arith.constant 0 : i32
            %gather3A_448 = tpu.memref_slice %arg5[%and3A_325, %gather3A_446, %gather3A_447] : memref<8x8x1024xf32, #tpu.memory_space<vmem>> -> memref<1x8x1024xf32, #tpu.memory_space<vmem>>
            %gather3A_449 = tpu.memref_squeeze %gather3A_448 : memref<1x8x1024xf32, #tpu.memory_space<vmem>> -> memref<8x1024xf32, #tpu.memory_space<vmem>>
            %gather3A_450 = tpu.vector_load_idx %gather3A_449[%broadcast_in_dim3A_445, %sub3A_423] masked %lt3A_421 : memref<8x1024xf32, #tpu.memory_space<vmem>>[vector<16xi32>, vector<16xi32>], vector<16xf32>, vector<16xi1>
            tpu.vector_store_idx %arg7[%broadcast_in_dim3A_445, %get3A_415], %gather3A_450 masked %lt3A_421 : memref<8x4096xf32, #tpu.memory_space<vmem>>[vector<16xi32>, vector<16xi32>], vector<16xf32>, vector<16xi1>
            %broadcast_in_dim3A_451 = arith.constant 4 : i32
            %broadcast_in_dim3A_452 = vector.broadcast %broadcast_in_dim3A_451 : i32 to vector<16xi32>
            %gather3A_453 = arith.constant 0 : i32
            %gather3A_454 = arith.constant 0 : i32
            %gather3A_455 = tpu.memref_slice %arg5[%and3A_325, %gather3A_453, %gather3A_454] : memref<8x8x1024xf32, #tpu.memory_space<vmem>> -> memref<1x8x1024xf32, #tpu.memory_space<vmem>>
            %gather3A_456 = tpu.memref_squeeze %gather3A_455 : memref<1x8x1024xf32, #tpu.memory_space<vmem>> -> memref<8x1024xf32, #tpu.memory_space<vmem>>
            %gather3A_457 = tpu.vector_load_idx %gather3A_456[%broadcast_in_dim3A_452, %sub3A_423] masked %lt3A_421 : memref<8x1024xf32, #tpu.memory_space<vmem>>[vector<16xi32>, vector<16xi32>], vector<16xf32>, vector<16xi1>
            tpu.vector_store_idx %arg7[%broadcast_in_dim3A_452, %get3A_415], %gather3A_457 masked %lt3A_421 : memref<8x4096xf32, #tpu.memory_space<vmem>>[vector<16xi32>, vector<16xi32>], vector<16xf32>, vector<16xi1>
            %broadcast_in_dim3A_458 = arith.constant 5 : i32
            %broadcast_in_dim3A_459 = vector.broadcast %broadcast_in_dim3A_458 : i32 to vector<16xi32>
            %gather3A_460 = arith.constant 0 : i32
            %gather3A_461 = arith.constant 0 : i32
            %gather3A_462 = tpu.memref_slice %arg5[%and3A_325, %gather3A_460, %gather3A_461] : memref<8x8x1024xf32, #tpu.memory_space<vmem>> -> memref<1x8x1024xf32, #tpu.memory_space<vmem>>
            %gather3A_463 = tpu.memref_squeeze %gather3A_462 : memref<1x8x1024xf32, #tpu.memory_space<vmem>> -> memref<8x1024xf32, #tpu.memory_space<vmem>>
            %gather3A_464 = tpu.vector_load_idx %gather3A_463[%broadcast_in_dim3A_459, %sub3A_423] masked %lt3A_421 : memref<8x1024xf32, #tpu.memory_space<vmem>>[vector<16xi32>, vector<16xi32>], vector<16xf32>, vector<16xi1>
            tpu.vector_store_idx %arg7[%broadcast_in_dim3A_459, %get3A_415], %gather3A_464 masked %lt3A_421 : memref<8x4096xf32, #tpu.memory_space<vmem>>[vector<16xi32>, vector<16xi32>], vector<16xf32>, vector<16xi1>
            %broadcast_in_dim3A_465 = arith.constant 6 : i32
            %broadcast_in_dim3A_466 = vector.broadcast %broadcast_in_dim3A_465 : i32 to vector<16xi32>
            %gather3A_467 = arith.constant 0 : i32
            %gather3A_468 = arith.constant 0 : i32
            %gather3A_469 = tpu.memref_slice %arg5[%and3A_325, %gather3A_467, %gather3A_468] : memref<8x8x1024xf32, #tpu.memory_space<vmem>> -> memref<1x8x1024xf32, #tpu.memory_space<vmem>>
            %gather3A_470 = tpu.memref_squeeze %gather3A_469 : memref<1x8x1024xf32, #tpu.memory_space<vmem>> -> memref<8x1024xf32, #tpu.memory_space<vmem>>
            %gather3A_471 = tpu.vector_load_idx %gather3A_470[%broadcast_in_dim3A_466, %sub3A_423] masked %lt3A_421 : memref<8x1024xf32, #tpu.memory_space<vmem>>[vector<16xi32>, vector<16xi32>], vector<16xf32>, vector<16xi1>
            tpu.vector_store_idx %arg7[%broadcast_in_dim3A_466, %get3A_415], %gather3A_471 masked %lt3A_421 : memref<8x4096xf32, #tpu.memory_space<vmem>>[vector<16xi32>, vector<16xi32>], vector<16xf32>, vector<16xi1>
            %broadcast_in_dim3A_472 = arith.constant 7 : i32
            %broadcast_in_dim3A_473 = vector.broadcast %broadcast_in_dim3A_472 : i32 to vector<16xi32>
            %gather3A_474 = arith.constant 0 : i32
            %gather3A_475 = arith.constant 0 : i32
            %gather3A_476 = tpu.memref_slice %arg5[%and3A_325, %gather3A_474, %gather3A_475] : memref<8x8x1024xf32, #tpu.memory_space<vmem>> -> memref<1x8x1024xf32, #tpu.memory_space<vmem>>
            %gather3A_477 = tpu.memref_squeeze %gather3A_476 : memref<1x8x1024xf32, #tpu.memory_space<vmem>> -> memref<8x1024xf32, #tpu.memory_space<vmem>>
            %gather3A_478 = tpu.vector_load_idx %gather3A_477[%broadcast_in_dim3A_473, %sub3A_423] masked %lt3A_421 : memref<8x1024xf32, #tpu.memory_space<vmem>>[vector<16xi32>, vector<16xi32>], vector<16xf32>, vector<16xi1>
            tpu.vector_store_idx %arg7[%broadcast_in_dim3A_473, %get3A_415], %gather3A_478 masked %lt3A_421 : memref<8x4096xf32, #tpu.memory_space<vmem>>[vector<16xi32>, vector<16xi32>], vector<16xf32>, vector<16xi1>
            %while3A_479 = arith.constant 0 : i32
            scf.yield %while3A_479 : i32
          }
          %while3A_387 = arith.constant 1 : i32
          %while3A_388 = scf.for %while3A_406 = %while3A_384 to %while3A_380 step %while3A_387 iter_args(%while3A_407 = %while3A_386) -> (i32)  : i32 {
            %mul3A_408 = arith.constant 16 : i32
            %mul3A_409 = arith.muli %while3A_406, %mul3A_408 : i32
            %add3A_410 = arith.addi %multiple_of3A_348, %mul3A_409 : i32
            %multiple_of3A_411 = tpu.assume_multiple %add3A_410, 8 : i32
            %get3A_412 = arith.index_cast %multiple_of3A_411 : i32 to index
            %get3A_413 = tpu.vector_load %arg9[%get3A_412] {strides = array<i32>} : memref<5568xi32, #tpu.memory_space<vmem>>, vector<16xi32>,
            %get3A_414 = arith.index_cast %multiple_of3A_411 : i32 to index
            %get3A_415 = tpu.vector_load %arg10[%get3A_414] {strides = array<i32>} : memref<5568xi32, #tpu.memory_space<vmem>>, vector<16xi32>,
            %mul3A_416 = arith.constant 16 : i32
            %mul3A_417 = arith.muli %while3A_406, %mul3A_416 : i32
            %add3A_418 = vector.broadcast %mul3A_417 : i32 to vector<16xi32>
            %add3A_419 = arith.addi %add3A_418, %iota3A : vector<16xi32>
            %lt3A_420 = vector.broadcast %reduce_max3A_370 : i32 to vector<16xi32>
            %lt3A_421 = arith.cmpi slt, %add3A_419, %lt3A_420 : vector<16xi32>
            %sub3A_422 = vector.broadcast %mul3A_372 : i32 to vector<16xi32>
            %sub3A_423 = arith.subi %get3A_413, %sub3A_422 : vector<16xi32>
            %broadcast_in_dim3A_424 = arith.constant 0 : i32
            %broadcast_in_dim3A_425 = vector.broadcast %broadcast_in_dim3A_424 : i32 to vector<16xi32>
            %gather3A = arith.constant 0 : i32
            %gather3A_426 = arith.constant 0 : i32
            %gather3A_427 = tpu.memref_slice %arg5[%and3A_325, %gather3A, %gather3A_426] : memref<8x8x1024xf32, #tpu.memory_space<vmem>> -> memref<1x8x1024xf32, #tpu.memory_space<vmem>>
            %gather3A_428 = tpu.memref_squeeze %gather3A_427 : memref<1x8x1024xf32, #tpu.memory_space<vmem>> -> memref<8x1024xf32, #tpu.memory_space<vmem>>
            %gather3A_429 = tpu.vector_load_idx %gather3A_428[%broadcast_in_dim3A_425, %sub3A_423] masked %lt3A_421 : memref<8x1024xf32, #tpu.memory_space<vmem>>[vector<16xi32>, vector<16xi32>], vector<16xf32>, vector<16xi1>
            tpu.vector_store_idx %arg7[%broadcast_in_dim3A_425, %get3A_415], %gather3A_429 masked %lt3A_421 : memref<8x4096xf32, #tpu.memory_space<vmem>>[vector<16xi32>, vector<16xi32>], vector<16xf32>, vector<16xi1>
            %broadcast_in_dim3A_430 = arith.constant 1 : i32
            %broadcast_in_dim3A_431 = vector.broadcast %broadcast_in_dim3A_430 : i32 to vector<16xi32>
            %gather3A_432 = arith.constant 0 : i32
            %gather3A_433 = arith.constant 0 : i32
            %gather3A_434 = tpu.memref_slice %arg5[%and3A_325, %gather3A_432, %gather3A_433] : memref<8x8x1024xf32, #tpu.memory_space<vmem>> -> memref<1x8x1024xf32, #tpu.memory_space<vmem>>
            %gather3A_435 = tpu.memref_squeeze %gather3A_434 : memref<1x8x1024xf32, #tpu.memory_space<vmem>> -> memref<8x1024xf32, #tpu.memory_space<vmem>>
            %gather3A_436 = tpu.vector_load_idx %gather3A_435[%broadcast_in_dim3A_431, %sub3A_423] masked %lt3A_421 : memref<8x1024xf32, #tpu.memory_space<vmem>>[vector<16xi32>, vector<16xi32>], vector<16xf32>, vector<16xi1>
            tpu.vector_store_idx %arg7[%broadcast_in_dim3A_431, %get3A_415], %gather3A_436 masked %lt3A_421 : memref<8x4096xf32, #tpu.memory_space<vmem>>[vector<16xi32>, vector<16xi32>], vector<16xf32>, vector<16xi1>
            %broadcast_in_dim3A_437 = arith.constant 2 : i32
            %broadcast_in_dim3A_438 = vector.broadcast %broadcast_in_dim3A_437 : i32 to vector<16xi32>
            %gather3A_439 = arith.constant 0 : i32
            %gather3A_440 = arith.constant 0 : i32
            %gather3A_441 = tpu.memref_slice %arg5[%and3A_325, %gather3A_439, %gather3A_440] : memref<8x8x1024xf32, #tpu.memory_space<vmem>> -> memref<1x8x1024xf32, #tpu.memory_space<vmem>>
            %gather3A_442 = tpu.memref_squeeze %gather3A_441 : memref<1x8x1024xf32, #tpu.memory_space<vmem>> -> memref<8x1024xf32, #tpu.memory_space<vmem>>
            %gather3A_443 = tpu.vector_load_idx %gather3A_442[%broadcast_in_dim3A_438, %sub3A_423] masked %lt3A_421 : memref<8x1024xf32, #tpu.memory_space<vmem>>[vector<16xi32>, vector<16xi32>], vector<16xf32>, vector<16xi1>
            tpu.vector_store_idx %arg7[%broadcast_in_dim3A_438, %get3A_415], %gather3A_443 masked %lt3A_421 : memref<8x4096xf32, #tpu.memory_space<vmem>>[vector<16xi32>, vector<16xi32>], vector<16xf32>, vector<16xi1>
            %broadcast_in_dim3A_444 = arith.constant 3 : i32
            %broadcast_in_dim3A_445 = vector.broadcast %broadcast_in_dim3A_444 : i32 to vector<16xi32>
            %gather3A_446 = arith.constant 0 : i32
            %gather3A_447 = arith.constant 0 : i32
            %gather3A_448 = tpu.memref_slice %arg5[%and3A_325, %gather3A_446, %gather3A_447] : memref<8x8x1024xf32, #tpu.memory_space<vmem>> -> memref<1x8x1024xf32, #tpu.memory_space<vmem>>
            %gather3A_449 = tpu.memref_squeeze %gather3A_448 : memref<1x8x1024xf32, #tpu.memory_space<vmem>> -> memref<8x1024xf32, #tpu.memory_space<vmem>>
            %gather3A_450 = tpu.vector_load_idx %gather3A_449[%broadcast_in_dim3A_445, %sub3A_423] masked %lt3A_421 : memref<8x1024xf32, #tpu.memory_space<vmem>>[vector<16xi32>, vector<16xi32>], vector<16xf32>, vector<16xi1>
            tpu.vector_store_idx %arg7[%broadcast_in_dim3A_445, %get3A_415], %gather3A_450 masked %lt3A_421 : memref<8x4096xf32, #tpu.memory_space<vmem>>[vector<16xi32>, vector<16xi32>], vector<16xf32>, vector<16xi1>
            %broadcast_in_dim3A_451 = arith.constant 4 : i32
            %broadcast_in_dim3A_452 = vector.broadcast %broadcast_in_dim3A_451 : i32 to vector<16xi32>
            %gather3A_453 = arith.constant 0 : i32
            %gather3A_454 = arith.constant 0 : i32
            %gather3A_455 = tpu.memref_slice %arg5[%and3A_325, %gather3A_453, %gather3A_454] : memref<8x8x1024xf32, #tpu.memory_space<vmem>> -> memref<1x8x1024xf32, #tpu.memory_space<vmem>>
            %gather3A_456 = tpu.memref_squeeze %gather3A_455 : memref<1x8x1024xf32, #tpu.memory_space<vmem>> -> memref<8x1024xf32, #tpu.memory_space<vmem>>
            %gather3A_457 = tpu.vector_load_idx %gather3A_456[%broadcast_in_dim3A_452, %sub3A_423] masked %lt3A_421 : memref<8x1024xf32, #tpu.memory_space<vmem>>[vector<16xi32>, vector<16xi32>], vector<16xf32>, vector<16xi1>
            tpu.vector_store_idx %arg7[%broadcast_in_dim3A_452, %get3A_415], %gather3A_457 masked %lt3A_421 : memref<8x4096xf32, #tpu.memory_space<vmem>>[vector<16xi32>, vector<16xi32>], vector<16xf32>, vector<16xi1>
            %broadcast_in_dim3A_458 = arith.constant 5 : i32
            %broadcast_in_dim3A_459 = vector.broadcast %broadcast_in_dim3A_458 : i32 to vector<16xi32>
            %gather3A_460 = arith.constant 0 : i32
            %gather3A_461 = arith.constant 0 : i32
            %gather3A_462 = tpu.memref_slice %arg5[%and3A_325, %gather3A_460, %gather3A_461] : memref<8x8x1024xf32, #tpu.memory_space<vmem>> -> memref<1x8x1024xf32, #tpu.memory_space<vmem>>
            %gather3A_463 = tpu.memref_squeeze %gather3A_462 : memref<1x8x1024xf32, #tpu.memory_space<vmem>> -> memref<8x1024xf32, #tpu.memory_space<vmem>>
            %gather3A_464 = tpu.vector_load_idx %gather3A_463[%broadcast_in_dim3A_459, %sub3A_423] masked %lt3A_421 : memref<8x1024xf32, #tpu.memory_space<vmem>>[vector<16xi32>, vector<16xi32>], vector<16xf32>, vector<16xi1>
            tpu.vector_store_idx %arg7[%broadcast_in_dim3A_459, %get3A_415], %gather3A_464 masked %lt3A_421 : memref<8x4096xf32, #tpu.memory_space<vmem>>[vector<16xi32>, vector<16xi32>], vector<16xf32>, vector<16xi1>
            %broadcast_in_dim3A_465 = arith.constant 6 : i32
            %broadcast_in_dim3A_466 = vector.broadcast %broadcast_in_dim3A_465 : i32 to vector<16xi32>
            %gather3A_467 = arith.constant 0 : i32
            %gather3A_468 = arith.constant 0 : i32
            %gather3A_469 = tpu.memref_slice %arg5[%and3A_325, %gather3A_467, %gather3A_468] : memref<8x8x1024xf32, #tpu.memory_space<vmem>> -> memref<1x8x1024xf32, #tpu.memory_space<vmem>>
            %gather3A_470 = tpu.memref_squeeze %gather3A_469 : memref<1x8x1024xf32, #tpu.memory_space<vmem>> -> memref<8x1024xf32, #tpu.memory_space<vmem>>
            %gather3A_471 = tpu.vector_load_idx %gather3A_470[%broadcast_in_dim3A_466, %sub3A_423] masked %lt3A_421 : memref<8x1024xf32, #tpu.memory_space<vmem>>[vector<16xi32>, vector<16xi32>], vector<16xf32>, vector<16xi1>
            tpu.vector_store_idx %arg7[%broadcast_in_dim3A_466, %get3A_415], %gather3A_471 masked %lt3A_421 : memref<8x4096xf32, #tpu.memory_space<vmem>>[vector<16xi32>, vector<16xi32>], vector<16xf32>, vector<16xi1>
            %broadcast_in_dim3A_472 = arith.constant 7 : i32
            %broadcast_in_dim3A_473 = vector.broadcast %broadcast_in_dim3A_472 : i32 to vector<16xi32>
            %gather3A_474 = arith.constant 0 : i32
            %gather3A_475 = arith.constant 0 : i32
            %gather3A_476 = tpu.memref_slice %arg5[%and3A_325, %gather3A_474, %gather3A_475] : memref<8x8x1024xf32, #tpu.memory_space<vmem>> -> memref<1x8x1024xf32, #tpu.memory_space<vmem>>
            %gather3A_477 = tpu.memref_squeeze %gather3A_476 : memref<1x8x1024xf32, #tpu.memory_space<vmem>> -> memref<8x1024xf32, #tpu.memory_space<vmem>>
            %gather3A_478 = tpu.vector_load_idx %gather3A_477[%broadcast_in_dim3A_473, %sub3A_423] masked %lt3A_421 : memref<8x1024xf32, #tpu.memory_space<vmem>>[vector<16xi32>, vector<16xi32>], vector<16xf32>, vector<16xi1>
            tpu.vector_store_idx %arg7[%broadcast_in_dim3A_473, %get3A_415], %gather3A_478 masked %lt3A_421 : memref<8x4096xf32, #tpu.memory_space<vmem>>[vector<16xi32>, vector<16xi32>], vector<16xf32>, vector<16xi1>
            %while3A_479 = arith.constant 0 : i32
            scf.yield %while3A_479 : i32
          }
          %add3A_389 = arith.constant 8 : i32
          %add3A_390 = arith.addi %scan3A_303, %add3A_389 : i32
          %shift_right_arithmetic3A_391 = arith.constant 2 : i32
          %shift_right_arithmetic3A_392 = arith.shrsi %add3A_21, %shift_right_arithmetic3A_391 : i32
          %and3A_393 = arith.constant 3 : i32
          %and3A_394 = arith.andi %add3A_21, %and3A_393 : i32
          %lt3A_395 = arith.constant 97 : i32
          %lt3A_396 = arith.cmpi slt, %add3A_390, %lt3A_395 : i32
          %convert_element_type3A_397 = arith.extui %lt3A_396 : i1 to i32
          %cond3A_398 = arith.constant 0 : i32
          %cond3A_399 = arith.cmpi ne, %convert_element_type3A_397, %cond3A_398 : i32
          scf.if %cond3A_399 {
            %mul3A_406 = arith.constant 1024 : i32
            %mul3A_407 = arith.muli %add3A_390, %mul3A_406 : i32
            %multiple_of3A_408 = tpu.assume_multiple %mul3A_407, 128 : i32
            %and3A_409 = arith.constant 7 : i32
            %and3A_410 = arith.andi %add3A_390, %and3A_409 : i32
            %dma_start3A_411 = arith.constant 0 : i32
            %dma_start3A_412 = arith.constant 0 : i32
            %dma_start3A_413 = tpu.memref_slice %arg5[%and3A_410, %dma_start3A_411, %dma_start3A_412] : memref<8x8x1024xf32, #tpu.memory_space<vmem>> -> memref<1x8x1024xf32, #tpu.memory_space<vmem>>
            %dma_start3A_414 = tpu.memref_squeeze %dma_start3A_413 : memref<1x8x1024xf32, #tpu.memory_space<vmem>> -> memref<8x1024xf32, #tpu.memory_space<vmem>>
            %dma_start3A_415 = arith.constant 0 : i32
            %dma_start3A_416 = tpu.memref_slice %arg3[%shift_right_arithmetic3A_392, %and3A_394, %dma_start3A_415, %multiple_of3A_408] : memref<26x4x8x100000xf32, #tpu.memory_space<hbm>> -> memref<1x1x8x1024xf32, #tpu.memory_space<hbm>>
            %dma_start3A_417 = tpu.memref_squeeze %dma_start3A_416 : memref<1x1x8x1024xf32, #tpu.memory_space<hbm>> -> memref<8x1024xf32, #tpu.memory_space<hbm>>
            %dma_start3A_418 = arith.constant 0 : i32
            %dma_start3A_419 = arith.constant 0 : i32
            %dma_start3A_420 = tpu.memref_slice %arg5[%and3A_410, %dma_start3A_418, %dma_start3A_419] : memref<8x8x1024xf32, #tpu.memory_space<vmem>> -> memref<1x8x1024xf32, #tpu.memory_space<vmem>>
            %dma_start3A_421 = tpu.memref_squeeze %dma_start3A_420 : memref<1x8x1024xf32, #tpu.memory_space<vmem>> -> memref<8x1024xf32, #tpu.memory_space<vmem>>
            %dma_start3A_422 = arith.constant 0 : i32
            %dma_start3A_423 = tpu.memref_slice %arg3[%shift_right_arithmetic3A_392, %and3A_394, %dma_start3A_422, %multiple_of3A_408] : memref<26x4x8x100000xf32, #tpu.memory_space<hbm>> -> memref<1x1x8x1024xf32, #tpu.memory_space<hbm>>
            %dma_start3A_424 = tpu.memref_squeeze %dma_start3A_423 : memref<1x1x8x1024xf32, #tpu.memory_space<hbm>> -> memref<8x1024xf32, #tpu.memory_space<hbm>>
            tpu.enqueue_dma source(%dma_start3A_424 : memref<8x1024xf32, #tpu.memory_space<hbm>>) target(%dma_start3A_421 : memref<8x1024xf32, #tpu.memory_space<vmem>>) target_semaphore(%arg14 : memref<!tpu.dma_semaphore, #tpu.memory_space<semaphore_mem>>)
          } else {
          }
          %eq3A_400 = arith.constant 97 : i32
          %eq3A_401 = arith.cmpi eq, %add3A_390, %eq3A_400 : i32
          %convert_element_type3A_402 = arith.extui %eq3A_401 : i1 to i32
          %cond3A_403 = arith.constant 0 : i32
          %cond3A_404 = arith.cmpi ne, %convert_element_type3A_402, %cond3A_403 : i32
          scf.if %cond3A_404 {
            %dma_start3A_406 = arith.constant 0 : i32
            %dma_start3A_407 = arith.constant 99328 : i32
            %dma_start3A_408 = tpu.memref_slice %arg3[%shift_right_arithmetic3A_392, %and3A_394, %dma_start3A_406, %dma_start3A_407] : memref<26x4x8x100000xf32, #tpu.memory_space<hbm>> -> memref<1x1x8x672xf32, #tpu.memory_space<hbm>>
            %dma_start3A_409 = tpu.memref_squeeze %dma_start3A_408 : memref<1x1x8x672xf32, #tpu.memory_space<hbm>> -> memref<8x672xf32, #tpu.memory_space<hbm>>
            %dma_start3A_410 = arith.constant 0 : i32
            %dma_start3A_411 = arith.constant 99328 : i32
            %dma_start3A_412 = tpu.memref_slice %arg3[%shift_right_arithmetic3A_392, %and3A_394, %dma_start3A_410, %dma_start3A_411] : memref<26x4x8x100000xf32, #tpu.memory_space<hbm>> -> memref<1x1x8x672xf32, #tpu.memory_space<hbm>>
            %dma_start3A_413 = tpu.memref_squeeze %dma_start3A_412 : memref<1x1x8x672xf32, #tpu.memory_space<hbm>> -> memref<8x672xf32, #tpu.memory_space<hbm>>
            tpu.enqueue_dma source(%dma_start3A_413 : memref<8x672xf32, #tpu.memory_space<hbm>>) target(%arg6 : memref<8x672xf32, #tpu.memory_space<vmem>>) target_semaphore(%arg14 : memref<!tpu.dma_semaphore, #tpu.memory_space<semaphore_mem>>)
          } else {
          }
          %scan3A_405 = arith.constant 0 : i32
          scf.yield %scan3A_405 : i32
        }
        %scan3A_229 = arith.constant 97 : i32
        %dma_wait3A_230 = arith.constant 0 : i32
        %dma_wait3A_231 = arith.constant 0 : i32
        %dma_wait3A_232 = arith.constant 0 : i32
        %dma_wait3A_233 = arith.constant 99328 : i32
        %dma_wait3A_234 = tpu.memref_slice %arg3[%dma_wait3A_230, %dma_wait3A_231, %dma_wait3A_232, %dma_wait3A_233] : memref<26x4x8x100000xf32, #tpu.memory_space<hbm>> -> memref<1x1x8x672xf32, #tpu.memory_space<hbm>>
        %dma_wait3A_235 = tpu.memref_squeeze %dma_wait3A_234 : memref<1x1x8x672xf32, #tpu.memory_space<hbm>> -> memref<8x672xf32, #tpu.memory_space<hbm>>
        %dma_wait3A_236 = arith.constant 0 : i32
        %dma_wait3A_237 = arith.constant 99328 : i32
        %dma_wait3A_238 = tpu.memref_slice %arg3[%dma_wait3A_230, %dma_wait3A_231, %dma_wait3A_236, %dma_wait3A_237] : memref<26x4x8x100000xf32, #tpu.memory_space<hbm>> -> memref<1x1x8x672xf32, #tpu.memory_space<hbm>>
        %dma_wait3A_239 = tpu.memref_squeeze %dma_wait3A_238 : memref<1x1x8x672xf32, #tpu.memory_space<hbm>> -> memref<8x672xf32, #tpu.memory_space<hbm>>
        tpu.wait_dma2 semaphore(%arg14 : memref<!tpu.dma_semaphore, #tpu.memory_space<semaphore_mem>>) src(%dma_wait3A_239 : memref<8x672xf32, #tpu.memory_space<hbm>>) dst(%arg6 : memref<8x672xf32, #tpu.memory_space<vmem>>)
        %add3A_240 = arith.constant 32 : i32
        %add3A_241 = arith.addi %add3A_21, %add3A_240 : i32
        %lt3A_242 = arith.constant 104 : i32
        %lt3A_243 = arith.cmpi slt, %add3A_241, %lt3A_242 : i32
        %convert_element_type3A_244 = arith.extui %lt3A_243 : i1 to i32
        %cond3A_245 = arith.constant 0 : i32
        %cond3A_246 = arith.cmpi ne, %convert_element_type3A_244, %cond3A_245 : i32
        scf.if %cond3A_246 {
          %shift_right_arithmetic3A_303 = arith.constant 2 : i32
          %shift_right_arithmetic3A_304 = arith.shrsi %add3A_241, %shift_right_arithmetic3A_303 : i32
          %and3A_305 = arith.constant 3 : i32
          %and3A_306 = arith.andi %add3A_241, %and3A_305 : i32
          %multiple_of3A_307 = arith.constant 0 : i32
          %multiple_of3A_308 = tpu.assume_multiple %multiple_of3A_307, 128 : i32
          %dma_start3A_309 = arith.constant 0 : i32
          %dma_start3A_310 = arith.constant 0 : i32
          %dma_start3A_311 = arith.constant 0 : i32
          %dma_start3A_312 = tpu.memref_slice %arg5[%dma_start3A_309, %dma_start3A_310, %dma_start3A_311] : memref<8x8x1024xf32, #tpu.memory_space<vmem>> -> memref<1x8x1024xf32, #tpu.memory_space<vmem>>
          %dma_start3A_313 = tpu.memref_squeeze %dma_start3A_312 : memref<1x8x1024xf32, #tpu.memory_space<vmem>> -> memref<8x1024xf32, #tpu.memory_space<vmem>>
          %dma_start3A_314 = arith.constant 0 : i32
          %dma_start3A_315 = tpu.memref_slice %arg3[%shift_right_arithmetic3A_304, %and3A_306, %dma_start3A_314, %multiple_of3A_308] : memref<26x4x8x100000xf32, #tpu.memory_space<hbm>> -> memref<1x1x8x1024xf32, #tpu.memory_space<hbm>>
          %dma_start3A_316 = tpu.memref_squeeze %dma_start3A_315 : memref<1x1x8x1024xf32, #tpu.memory_space<hbm>> -> memref<8x1024xf32, #tpu.memory_space<hbm>>
          %dma_start3A_317 = arith.constant 0 : i32
          %dma_start3A_318 = arith.constant 0 : i32
          %dma_start3A_319 = tpu.memref_slice %arg5[%dma_start3A_309, %dma_start3A_317, %dma_start3A_318] : memref<8x8x1024xf32, #tpu.memory_space<vmem>> -> memref<1x8x1024xf32, #tpu.memory_space<vmem>>
          %dma_start3A_320 = tpu.memref_squeeze %dma_start3A_319 : memref<1x8x1024xf32, #tpu.memory_space<vmem>> -> memref<8x1024xf32, #tpu.memory_space<vmem>>
          %dma_start3A_321 = arith.constant 0 : i32
          %dma_start3A_322 = tpu.memref_slice %arg3[%shift_right_arithmetic3A_304, %and3A_306, %dma_start3A_321, %multiple_of3A_308] : memref<26x4x8x100000xf32, #tpu.memory_space<hbm>> -> memref<1x1x8x1024xf32, #tpu.memory_space<hbm>>
          %dma_start3A_323 = tpu.memref_squeeze %dma_start3A_322 : memref<1x1x8x1024xf32, #tpu.memory_space<hbm>> -> memref<8x1024xf32, #tpu.memory_space<hbm>>
          tpu.enqueue_dma source(%dma_start3A_323 : memref<8x1024xf32, #tpu.memory_space<hbm>>) target(%dma_start3A_320 : memref<8x1024xf32, #tpu.memory_space<vmem>>) target_semaphore(%arg14 : memref<!tpu.dma_semaphore, #tpu.memory_space<semaphore_mem>>)
          %shift_right_arithmetic3A_324 = arith.constant 2 : i32
          %shift_right_arithmetic3A_325 = arith.shrsi %add3A_241, %shift_right_arithmetic3A_324 : i32
          %and3A_326 = arith.constant 3 : i32
          %and3A_327 = arith.andi %add3A_241, %and3A_326 : i32
          %multiple_of3A_328 = arith.constant 1024 : i32
          %multiple_of3A_329 = tpu.assume_multiple %multiple_of3A_328, 128 : i32
          %dma_start3A_330 = arith.constant 1 : i32
          %dma_start3A_331 = arith.constant 0 : i32
          %dma_start3A_332 = arith.constant 0 : i32
          %dma_start3A_333 = tpu.memref_slice %arg5[%dma_start3A_330, %dma_start3A_331, %dma_start3A_332] : memref<8x8x1024xf32, #tpu.memory_space<vmem>> -> memref<1x8x1024xf32, #tpu.memory_space<vmem>>
          %dma_start3A_334 = tpu.memref_squeeze %dma_start3A_333 : memref<1x8x1024xf32, #tpu.memory_space<vmem>> -> memref<8x1024xf32, #tpu.memory_space<vmem>>
          %dma_start3A_335 = arith.constant 0 : i32
          %dma_start3A_336 = tpu.memref_slice %arg3[%shift_right_arithmetic3A_325, %and3A_327, %dma_start3A_335, %multiple_of3A_329] : memref<26x4x8x100000xf32, #tpu.memory_space<hbm>> -> memref<1x1x8x1024xf32, #tpu.memory_space<hbm>>
          %dma_start3A_337 = tpu.memref_squeeze %dma_start3A_336 : memref<1x1x8x1024xf32, #tpu.memory_space<hbm>> -> memref<8x1024xf32, #tpu.memory_space<hbm>>
          %dma_start3A_338 = arith.constant 0 : i32
          %dma_start3A_339 = arith.constant 0 : i32
          %dma_start3A_340 = tpu.memref_slice %arg5[%dma_start3A_330, %dma_start3A_338, %dma_start3A_339] : memref<8x8x1024xf32, #tpu.memory_space<vmem>> -> memref<1x8x1024xf32, #tpu.memory_space<vmem>>
          %dma_start3A_341 = tpu.memref_squeeze %dma_start3A_340 : memref<1x8x1024xf32, #tpu.memory_space<vmem>> -> memref<8x1024xf32, #tpu.memory_space<vmem>>
          %dma_start3A_342 = arith.constant 0 : i32
          %dma_start3A_343 = tpu.memref_slice %arg3[%shift_right_arithmetic3A_325, %and3A_327, %dma_start3A_342, %multiple_of3A_329] : memref<26x4x8x100000xf32, #tpu.memory_space<hbm>> -> memref<1x1x8x1024xf32, #tpu.memory_space<hbm>>
          %dma_start3A_344 = tpu.memref_squeeze %dma_start3A_343 : memref<1x1x8x1024xf32, #tpu.memory_space<hbm>> -> memref<8x1024xf32, #tpu.memory_space<hbm>>
          tpu.enqueue_dma source(%dma_start3A_344 : memref<8x1024xf32, #tpu.memory_space<hbm>>) target(%dma_start3A_341 : memref<8x1024xf32, #tpu.memory_space<vmem>>) target_semaphore(%arg14 : memref<!tpu.dma_semaphore, #tpu.memory_space<semaphore_mem>>)
          %shift_right_arithmetic3A_345 = arith.constant 2 : i32
          %shift_right_arithmetic3A_346 = arith.shrsi %add3A_241, %shift_right_arithmetic3A_345 : i32
          %and3A_347 = arith.constant 3 : i32
          %and3A_348 = arith.andi %add3A_241, %and3A_347 : i32
          %multiple_of3A_349 = arith.constant 2048 : i32
          %multiple_of3A_350 = tpu.assume_multiple %multiple_of3A_349, 128 : i32
          %dma_start3A_351 = arith.constant 2 : i32
          %dma_start3A_352 = arith.constant 0 : i32
          %dma_start3A_353 = arith.constant 0 : i32
          %dma_start3A_354 = tpu.memref_slice %arg5[%dma_start3A_351, %dma_start3A_352, %dma_start3A_353] : memref<8x8x1024xf32, #tpu.memory_space<vmem>> -> memref<1x8x1024xf32, #tpu.memory_space<vmem>>
          %dma_start3A_355 = tpu.memref_squeeze %dma_start3A_354 : memref<1x8x1024xf32, #tpu.memory_space<vmem>> -> memref<8x1024xf32, #tpu.memory_space<vmem>>
          %dma_start3A_356 = arith.constant 0 : i32
          %dma_start3A_357 = tpu.memref_slice %arg3[%shift_right_arithmetic3A_346, %and3A_348, %dma_start3A_356, %multiple_of3A_350] : memref<26x4x8x100000xf32, #tpu.memory_space<hbm>> -> memref<1x1x8x1024xf32, #tpu.memory_space<hbm>>
          %dma_start3A_358 = tpu.memref_squeeze %dma_start3A_357 : memref<1x1x8x1024xf32, #tpu.memory_space<hbm>> -> memref<8x1024xf32, #tpu.memory_space<hbm>>
          %dma_start3A_359 = arith.constant 0 : i32
          %dma_start3A_360 = arith.constant 0 : i32
          %dma_start3A_361 = tpu.memref_slice %arg5[%dma_start3A_351, %dma_start3A_359, %dma_start3A_360] : memref<8x8x1024xf32, #tpu.memory_space<vmem>> -> memref<1x8x1024xf32, #tpu.memory_space<vmem>>
          %dma_start3A_362 = tpu.memref_squeeze %dma_start3A_361 : memref<1x8x1024xf32, #tpu.memory_space<vmem>> -> memref<8x1024xf32, #tpu.memory_space<vmem>>
          %dma_start3A_363 = arith.constant 0 : i32
          %dma_start3A_364 = tpu.memref_slice %arg3[%shift_right_arithmetic3A_346, %and3A_348, %dma_start3A_363, %multiple_of3A_350] : memref<26x4x8x100000xf32, #tpu.memory_space<hbm>> -> memref<1x1x8x1024xf32, #tpu.memory_space<hbm>>
          %dma_start3A_365 = tpu.memref_squeeze %dma_start3A_364 : memref<1x1x8x1024xf32, #tpu.memory_space<hbm>> -> memref<8x1024xf32, #tpu.memory_space<hbm>>
          tpu.enqueue_dma source(%dma_start3A_365 : memref<8x1024xf32, #tpu.memory_space<hbm>>) target(%dma_start3A_362 : memref<8x1024xf32, #tpu.memory_space<vmem>>) target_semaphore(%arg14 : memref<!tpu.dma_semaphore, #tpu.memory_space<semaphore_mem>>)
          %shift_right_arithmetic3A_366 = arith.constant 2 : i32
          %shift_right_arithmetic3A_367 = arith.shrsi %add3A_241, %shift_right_arithmetic3A_366 : i32
          %and3A_368 = arith.constant 3 : i32
          %and3A_369 = arith.andi %add3A_241, %and3A_368 : i32
          %multiple_of3A_370 = arith.constant 3072 : i32
          %multiple_of3A_371 = tpu.assume_multiple %multiple_of3A_370, 128 : i32
          %dma_start3A_372 = arith.constant 3 : i32
          %dma_start3A_373 = arith.constant 0 : i32
          %dma_start3A_374 = arith.constant 0 : i32
          %dma_start3A_375 = tpu.memref_slice %arg5[%dma_start3A_372, %dma_start3A_373, %dma_start3A_374] : memref<8x8x1024xf32, #tpu.memory_space<vmem>> -> memref<1x8x1024xf32, #tpu.memory_space<vmem>>
          %dma_start3A_376 = tpu.memref_squeeze %dma_start3A_375 : memref<1x8x1024xf32, #tpu.memory_space<vmem>> -> memref<8x1024xf32, #tpu.memory_space<vmem>>
          %dma_start3A_377 = arith.constant 0 : i32
          %dma_start3A_378 = tpu.memref_slice %arg3[%shift_right_arithmetic3A_367, %and3A_369, %dma_start3A_377, %multiple_of3A_371] : memref<26x4x8x100000xf32, #tpu.memory_space<hbm>> -> memref<1x1x8x1024xf32, #tpu.memory_space<hbm>>
          %dma_start3A_379 = tpu.memref_squeeze %dma_start3A_378 : memref<1x1x8x1024xf32, #tpu.memory_space<hbm>> -> memref<8x1024xf32, #tpu.memory_space<hbm>>
          %dma_start3A_380 = arith.constant 0 : i32
          %dma_start3A_381 = arith.constant 0 : i32
          %dma_start3A_382 = tpu.memref_slice %arg5[%dma_start3A_372, %dma_start3A_380, %dma_start3A_381] : memref<8x8x1024xf32, #tpu.memory_space<vmem>> -> memref<1x8x1024xf32, #tpu.memory_space<vmem>>
          %dma_start3A_383 = tpu.memref_squeeze %dma_start3A_382 : memref<1x8x1024xf32, #tpu.memory_space<vmem>> -> memref<8x1024xf32, #tpu.memory_space<vmem>>
          %dma_start3A_384 = arith.constant 0 : i32
          %dma_start3A_385 = tpu.memref_slice %arg3[%shift_right_arithmetic3A_367, %and3A_369, %dma_start3A_384, %multiple_of3A_371] : memref<26x4x8x100000xf32, #tpu.memory_space<hbm>> -> memref<1x1x8x1024xf32, #tpu.memory_space<hbm>>
          %dma_start3A_386 = tpu.memref_squeeze %dma_start3A_385 : memref<1x1x8x1024xf32, #tpu.memory_space<hbm>> -> memref<8x1024xf32, #tpu.memory_space<hbm>>
          tpu.enqueue_dma source(%dma_start3A_386 : memref<8x1024xf32, #tpu.memory_space<hbm>>) target(%dma_start3A_383 : memref<8x1024xf32, #tpu.memory_space<vmem>>) target_semaphore(%arg14 : memref<!tpu.dma_semaphore, #tpu.memory_space<semaphore_mem>>)
          %shift_right_arithmetic3A_387 = arith.constant 2 : i32
          %shift_right_arithmetic3A_388 = arith.shrsi %add3A_241, %shift_right_arithmetic3A_387 : i32
          %and3A_389 = arith.constant 3 : i32
          %and3A_390 = arith.andi %add3A_241, %and3A_389 : i32
          %multiple_of3A_391 = arith.constant 4096 : i32
          %multiple_of3A_392 = tpu.assume_multiple %multiple_of3A_391, 128 : i32
          %dma_start3A_393 = arith.constant 4 : i32
          %dma_start3A_394 = arith.constant 0 : i32
          %dma_start3A_395 = arith.constant 0 : i32
          %dma_start3A_396 = tpu.memref_slice %arg5[%dma_start3A_393, %dma_start3A_394, %dma_start3A_395] : memref<8x8x1024xf32, #tpu.memory_space<vmem>> -> memref<1x8x1024xf32, #tpu.memory_space<vmem>>
          %dma_start3A_397 = tpu.memref_squeeze %dma_start3A_396 : memref<1x8x1024xf32, #tpu.memory_space<vmem>> -> memref<8x1024xf32, #tpu.memory_space<vmem>>
          %dma_start3A_398 = arith.constant 0 : i32
          %dma_start3A_399 = tpu.memref_slice %arg3[%shift_right_arithmetic3A_388, %and3A_390, %dma_start3A_398, %multiple_of3A_392] : memref<26x4x8x100000xf32, #tpu.memory_space<hbm>> -> memref<1x1x8x1024xf32, #tpu.memory_space<hbm>>
          %dma_start3A_400 = tpu.memref_squeeze %dma_start3A_399 : memref<1x1x8x1024xf32, #tpu.memory_space<hbm>> -> memref<8x1024xf32, #tpu.memory_space<hbm>>
          %dma_start3A_401 = arith.constant 0 : i32
          %dma_start3A_402 = arith.constant 0 : i32
          %dma_start3A_403 = tpu.memref_slice %arg5[%dma_start3A_393, %dma_start3A_401, %dma_start3A_402] : memref<8x8x1024xf32, #tpu.memory_space<vmem>> -> memref<1x8x1024xf32, #tpu.memory_space<vmem>>
          %dma_start3A_404 = tpu.memref_squeeze %dma_start3A_403 : memref<1x8x1024xf32, #tpu.memory_space<vmem>> -> memref<8x1024xf32, #tpu.memory_space<vmem>>
          %dma_start3A_405 = arith.constant 0 : i32
          %dma_start3A_406 = tpu.memref_slice %arg3[%shift_right_arithmetic3A_388, %and3A_390, %dma_start3A_405, %multiple_of3A_392] : memref<26x4x8x100000xf32, #tpu.memory_space<hbm>> -> memref<1x1x8x1024xf32, #tpu.memory_space<hbm>>
          %dma_start3A_407 = tpu.memref_squeeze %dma_start3A_406 : memref<1x1x8x1024xf32, #tpu.memory_space<hbm>> -> memref<8x1024xf32, #tpu.memory_space<hbm>>
          tpu.enqueue_dma source(%dma_start3A_407 : memref<8x1024xf32, #tpu.memory_space<hbm>>) target(%dma_start3A_404 : memref<8x1024xf32, #tpu.memory_space<vmem>>) target_semaphore(%arg14 : memref<!tpu.dma_semaphore, #tpu.memory_space<semaphore_mem>>)
          %shift_right_arithmetic3A_408 = arith.constant 2 : i32
          %shift_right_arithmetic3A_409 = arith.shrsi %add3A_241, %shift_right_arithmetic3A_408 : i32
          %and3A_410 = arith.constant 3 : i32
          %and3A_411 = arith.andi %add3A_241, %and3A_410 : i32
          %multiple_of3A_412 = arith.constant 5120 : i32
          %multiple_of3A_413 = tpu.assume_multiple %multiple_of3A_412, 128 : i32
          %dma_start3A_414 = arith.constant 5 : i32
          %dma_start3A_415 = arith.constant 0 : i32
          %dma_start3A_416 = arith.constant 0 : i32
          %dma_start3A_417 = tpu.memref_slice %arg5[%dma_start3A_414, %dma_start3A_415, %dma_start3A_416] : memref<8x8x1024xf32, #tpu.memory_space<vmem>> -> memref<1x8x1024xf32, #tpu.memory_space<vmem>>
          %dma_start3A_418 = tpu.memref_squeeze %dma_start3A_417 : memref<1x8x1024xf32, #tpu.memory_space<vmem>> -> memref<8x1024xf32, #tpu.memory_space<vmem>>
          %dma_start3A_419 = arith.constant 0 : i32
          %dma_start3A_420 = tpu.memref_slice %arg3[%shift_right_arithmetic3A_409, %and3A_411, %dma_start3A_419, %multiple_of3A_413] : memref<26x4x8x100000xf32, #tpu.memory_space<hbm>> -> memref<1x1x8x1024xf32, #tpu.memory_space<hbm>>
          %dma_start3A_421 = tpu.memref_squeeze %dma_start3A_420 : memref<1x1x8x1024xf32, #tpu.memory_space<hbm>> -> memref<8x1024xf32, #tpu.memory_space<hbm>>
          %dma_start3A_422 = arith.constant 0 : i32
          %dma_start3A_423 = arith.constant 0 : i32
          %dma_start3A_424 = tpu.memref_slice %arg5[%dma_start3A_414, %dma_start3A_422, %dma_start3A_423] : memref<8x8x1024xf32, #tpu.memory_space<vmem>> -> memref<1x8x1024xf32, #tpu.memory_space<vmem>>
          %dma_start3A_425 = tpu.memref_squeeze %dma_start3A_424 : memref<1x8x1024xf32, #tpu.memory_space<vmem>> -> memref<8x1024xf32, #tpu.memory_space<vmem>>
          %dma_start3A_426 = arith.constant 0 : i32
          %dma_start3A_427 = tpu.memref_slice %arg3[%shift_right_arithmetic3A_409, %and3A_411, %dma_start3A_426, %multiple_of3A_413] : memref<26x4x8x100000xf32, #tpu.memory_space<hbm>> -> memref<1x1x8x1024xf32, #tpu.memory_space<hbm>>
          %dma_start3A_428 = tpu.memref_squeeze %dma_start3A_427 : memref<1x1x8x1024xf32, #tpu.memory_space<hbm>> -> memref<8x1024xf32, #tpu.memory_space<hbm>>
          tpu.enqueue_dma source(%dma_start3A_428 : memref<8x1024xf32, #tpu.memory_space<hbm>>) target(%dma_start3A_425 : memref<8x1024xf32, #tpu.memory_space<vmem>>) target_semaphore(%arg14 : memref<!tpu.dma_semaphore, #tpu.memory_space<semaphore_mem>>)
          %shift_right_arithmetic3A_429 = arith.constant 2 : i32
          %shift_right_arithmetic3A_430 = arith.shrsi %add3A_241, %shift_right_arithmetic3A_429 : i32
          %and3A_431 = arith.constant 3 : i32
          %and3A_432 = arith.andi %add3A_241, %and3A_431 : i32
          %multiple_of3A_433 = arith.constant 6144 : i32
          %multiple_of3A_434 = tpu.assume_multiple %multiple_of3A_433, 128 : i32
          %dma_start3A_435 = arith.constant 6 : i32
          %dma_start3A_436 = arith.constant 0 : i32
          %dma_start3A_437 = arith.constant 0 : i32
          %dma_start3A_438 = tpu.memref_slice %arg5[%dma_start3A_435, %dma_start3A_436, %dma_start3A_437] : memref<8x8x1024xf32, #tpu.memory_space<vmem>> -> memref<1x8x1024xf32, #tpu.memory_space<vmem>>
          %dma_start3A_439 = tpu.memref_squeeze %dma_start3A_438 : memref<1x8x1024xf32, #tpu.memory_space<vmem>> -> memref<8x1024xf32, #tpu.memory_space<vmem>>
          %dma_start3A_440 = arith.constant 0 : i32
          %dma_start3A_441 = tpu.memref_slice %arg3[%shift_right_arithmetic3A_430, %and3A_432, %dma_start3A_440, %multiple_of3A_434] : memref<26x4x8x100000xf32, #tpu.memory_space<hbm>> -> memref<1x1x8x1024xf32, #tpu.memory_space<hbm>>
          %dma_start3A_442 = tpu.memref_squeeze %dma_start3A_441 : memref<1x1x8x1024xf32, #tpu.memory_space<hbm>> -> memref<8x1024xf32, #tpu.memory_space<hbm>>
          %dma_start3A_443 = arith.constant 0 : i32
          %dma_start3A_444 = arith.constant 0 : i32
          %dma_start3A_445 = tpu.memref_slice %arg5[%dma_start3A_435, %dma_start3A_443, %dma_start3A_444] : memref<8x8x1024xf32, #tpu.memory_space<vmem>> -> memref<1x8x1024xf32, #tpu.memory_space<vmem>>
          %dma_start3A_446 = tpu.memref_squeeze %dma_start3A_445 : memref<1x8x1024xf32, #tpu.memory_space<vmem>> -> memref<8x1024xf32, #tpu.memory_space<vmem>>
          %dma_start3A_447 = arith.constant 0 : i32
          %dma_start3A_448 = tpu.memref_slice %arg3[%shift_right_arithmetic3A_430, %and3A_432, %dma_start3A_447, %multiple_of3A_434] : memref<26x4x8x100000xf32, #tpu.memory_space<hbm>> -> memref<1x1x8x1024xf32, #tpu.memory_space<hbm>>
          %dma_start3A_449 = tpu.memref_squeeze %dma_start3A_448 : memref<1x1x8x1024xf32, #tpu.memory_space<hbm>> -> memref<8x1024xf32, #tpu.memory_space<hbm>>
          tpu.enqueue_dma source(%dma_start3A_449 : memref<8x1024xf32, #tpu.memory_space<hbm>>) target(%dma_start3A_446 : memref<8x1024xf32, #tpu.memory_space<vmem>>) target_semaphore(%arg14 : memref<!tpu.dma_semaphore, #tpu.memory_space<semaphore_mem>>)
          %shift_right_arithmetic3A_450 = arith.constant 2 : i32
          %shift_right_arithmetic3A_451 = arith.shrsi %add3A_241, %shift_right_arithmetic3A_450 : i32
          %and3A_452 = arith.constant 3 : i32
          %and3A_453 = arith.andi %add3A_241, %and3A_452 : i32
          %multiple_of3A_454 = arith.constant 7168 : i32
          %multiple_of3A_455 = tpu.assume_multiple %multiple_of3A_454, 128 : i32
          %dma_start3A_456 = arith.constant 7 : i32
          %dma_start3A_457 = arith.constant 0 : i32
          %dma_start3A_458 = arith.constant 0 : i32
          %dma_start3A_459 = tpu.memref_slice %arg5[%dma_start3A_456, %dma_start3A_457, %dma_start3A_458] : memref<8x8x1024xf32, #tpu.memory_space<vmem>> -> memref<1x8x1024xf32, #tpu.memory_space<vmem>>
          %dma_start3A_460 = tpu.memref_squeeze %dma_start3A_459 : memref<1x8x1024xf32, #tpu.memory_space<vmem>> -> memref<8x1024xf32, #tpu.memory_space<vmem>>
          %dma_start3A_461 = arith.constant 0 : i32
          %dma_start3A_462 = tpu.memref_slice %arg3[%shift_right_arithmetic3A_451, %and3A_453, %dma_start3A_461, %multiple_of3A_455] : memref<26x4x8x100000xf32, #tpu.memory_space<hbm>> -> memref<1x1x8x1024xf32, #tpu.memory_space<hbm>>
          %dma_start3A_463 = tpu.memref_squeeze %dma_start3A_462 : memref<1x1x8x1024xf32, #tpu.memory_space<hbm>> -> memref<8x1024xf32, #tpu.memory_space<hbm>>
          %dma_start3A_464 = arith.constant 0 : i32
          %dma_start3A_465 = arith.constant 0 : i32
          %dma_start3A_466 = tpu.memref_slice %arg5[%dma_start3A_456, %dma_start3A_464, %dma_start3A_465] : memref<8x8x1024xf32, #tpu.memory_space<vmem>> -> memref<1x8x1024xf32, #tpu.memory_space<vmem>>
          %dma_start3A_467 = tpu.memref_squeeze %dma_start3A_466 : memref<1x8x1024xf32, #tpu.memory_space<vmem>> -> memref<8x1024xf32, #tpu.memory_space<vmem>>
          %dma_start3A_468 = arith.constant 0 : i32
          %dma_start3A_469 = tpu.memref_slice %arg3[%shift_right_arithmetic3A_451, %and3A_453, %dma_start3A_468, %multiple_of3A_455] : memref<26x4x8x100000xf32, #tpu.memory_space<hbm>> -> memref<1x1x8x1024xf32, #tpu.memory_space<hbm>>
          %dma_start3A_470 = tpu.memref_squeeze %dma_start3A_469 : memref<1x1x8x1024xf32, #tpu.memory_space<hbm>> -> memref<8x1024xf32, #tpu.memory_space<hbm>>
          tpu.enqueue_dma source(%dma_start3A_470 : memref<8x1024xf32, #tpu.memory_space<hbm>>) target(%dma_start3A_467 : memref<8x1024xf32, #tpu.memory_space<vmem>>) target_semaphore(%arg14 : memref<!tpu.dma_semaphore, #tpu.memory_space<semaphore_mem>>)
        } else {
        }
        %multiple_of3A_247 = arith.constant 96 : i32
        %multiple_of3A_248 = tpu.assume_multiple %multiple_of3A_247, 8 : i32
        %get3A_249 = arith.index_cast %multiple_of3A_248 : i32 to index
        %get3A_250 = tpu.vector_load %arg12[%get3A_249] {strides = array<i32>} : memref<112xi32, #tpu.memory_space<vmem>>, vector<16xi32>,
        %eq3A_251 = arith.constant 1 : i32
        %eq3A_252 = vector.broadcast %eq3A_251 : i32 to vector<16xi32>
        %eq3A_253 = arith.cmpi eq, %iota3A, %eq3A_252 : vector<16xi32>
        %jit3A = arith.constant 0 : i32
        %broadcast_in_dim3A_254 = vector.broadcast %jit3A : i32 to vector<16xi32>
        %select_n3A = arith.select %eq3A_253, %get3A_250, %broadcast_in_dim3A_254 : vector<16xi1>, vector<16xi32>
        %reduce_max3A = arith.constant true
        %reduce_max3A_255 = vector.broadcast %reduce_max3A : i1 to vector<16xi1>
        %reduce_max3A_256 = arith.constant -2147483648 : i32
        %reduce_max3A_257 = vector.broadcast %reduce_max3A_256 : i32 to vector<16xi32>
        %reduce_max3A_258 = arith.xori %select_n3A, %reduce_max3A_257 : vector<16xi32>
        %reduce_max3A_259 = tpu.scan <max>, %reduce_max3A_258 masked %reduce_max3A_255 : vector<16xi32>, vector<16xi1> -> vector<16xi32>
        %reduce_max3A_260 = arith.xori %reduce_max3A_259, %reduce_max3A_257 : vector<16xi32>
        %reduce_max3A_261 = vector.extract %reduce_max3A_260[15] : i32 from vector<16xi32>
        %multiple_of3A_262 = tpu.assume_multiple %reduce_max3A_261, 8 : i32
        %multiple_of3A_263 = arith.constant 96 : i32
        %multiple_of3A_264 = tpu.assume_multiple %multiple_of3A_263, 8 : i32
        %get3A_265 = arith.index_cast %multiple_of3A_264 : i32 to index
        %get3A_266 = tpu.vector_load %arg11[%get3A_265] {strides = array<i32>} : memref<112xi32, #tpu.memory_space<vmem>>, vector<16xi32>,
        %eq3A_267 = arith.constant 1 : i32
        %eq3A_268 = vector.broadcast %eq3A_267 : i32 to vector<16xi32>
        %eq3A_269 = arith.cmpi eq, %iota3A, %eq3A_268 : vector<16xi32>
        %jit3A_270 = arith.constant 0 : i32
        %broadcast_in_dim3A_271 = vector.broadcast %jit3A_270 : i32 to vector<16xi32>
        %select_n3A_272 = arith.select %eq3A_269, %get3A_266, %broadcast_in_dim3A_271 : vector<16xi1>, vector<16xi32>
        %reduce_max3A_273 = arith.constant true
        %reduce_max3A_274 = vector.broadcast %reduce_max3A_273 : i1 to vector<16xi1>
        %reduce_max3A_275 = arith.constant -2147483648 : i32
        %reduce_max3A_276 = vector.broadcast %reduce_max3A_275 : i32 to vector<16xi32>
        %reduce_max3A_277 = arith.xori %select_n3A_272, %reduce_max3A_276 : vector<16xi32>
        %reduce_max3A_278 = tpu.scan <max>, %reduce_max3A_277 masked %reduce_max3A_274 : vector<16xi32>, vector<16xi1> -> vector<16xi32>
        %reduce_max3A_279 = arith.xori %reduce_max3A_278, %reduce_max3A_276 : vector<16xi32>
        %reduce_max3A_280 = vector.extract %reduce_max3A_279[15] : i32 from vector<16xi32>
        %add3A_281 = arith.constant 15 : i32
        %add3A_282 = arith.addi %reduce_max3A_280, %add3A_281 : i32
        %shift_right_arithmetic3A_283 = arith.constant 4 : i32
        %shift_right_arithmetic3A_284 = arith.shrsi %add3A_282, %shift_right_arithmetic3A_283 : i32
        %while3A = arith.constant 0 : i32
        %while3A_285 = arith.constant 0 : i32
        %while3A_286 = arith.subi %shift_right_arithmetic3A_284, %while3A : i32
        %while3A_287 = arith.addi %while3A, %while3A_286 : i32
        %while3A_288 = arith.constant 1 : i32
        %while3A_289 = arith.divsi %while3A_286, %while3A_288 : i32
        %while3A_290 = arith.muli %while3A_289, %while3A_288 : i32
        %while3A_291 = arith.addi %while3A, %while3A_290 : i32
        %while3A_292 = arith.constant 1 : i32
        %while3A_293 = scf.for %while3A_303 = %while3A to %while3A_291 step %while3A_292 iter_args(%while3A_304 = %while3A_285) -> (i32)  : i32 {
          %mul3A_305 = arith.constant 16 : i32
          %mul3A_306 = arith.muli %while3A_303, %mul3A_305 : i32
          %add3A_307 = arith.addi %multiple_of3A_262, %mul3A_306 : i32
          %multiple_of3A_308 = tpu.assume_multiple %add3A_307, 8 : i32
          %get3A_309 = arith.index_cast %multiple_of3A_308 : i32 to index
          %get3A_310 = tpu.vector_load %arg9[%get3A_309] {strides = array<i32>} : memref<5568xi32, #tpu.memory_space<vmem>>, vector<16xi32>,
          %get3A_311 = arith.index_cast %multiple_of3A_308 : i32 to index
          %get3A_312 = tpu.vector_load %arg10[%get3A_311] {strides = array<i32>} : memref<5568xi32, #tpu.memory_space<vmem>>, vector<16xi32>,
          %mul3A_313 = arith.constant 16 : i32
          %mul3A_314 = arith.muli %while3A_303, %mul3A_313 : i32
          %add3A_315 = vector.broadcast %mul3A_314 : i32 to vector<16xi32>
          %add3A_316 = arith.addi %add3A_315, %iota3A : vector<16xi32>
          %lt3A_317 = vector.broadcast %reduce_max3A_280 : i32 to vector<16xi32>
          %lt3A_318 = arith.cmpi slt, %add3A_316, %lt3A_317 : vector<16xi32>
          %sub3A_319 = arith.constant 99328 : i32
          %sub3A_320 = vector.broadcast %sub3A_319 : i32 to vector<16xi32>
          %sub3A_321 = arith.subi %get3A_310, %sub3A_320 : vector<16xi32>
          %broadcast_in_dim3A_322 = arith.constant 0 : i32
          %broadcast_in_dim3A_323 = vector.broadcast %broadcast_in_dim3A_322 : i32 to vector<16xi32>
          %gather3A = tpu.vector_load_idx %arg6[%broadcast_in_dim3A_323, %sub3A_321] masked %lt3A_318 : memref<8x672xf32, #tpu.memory_space<vmem>>[vector<16xi32>, vector<16xi32>], vector<16xf32>, vector<16xi1>
          tpu.vector_store_idx %arg7[%broadcast_in_dim3A_323, %get3A_312], %gather3A masked %lt3A_318 : memref<8x4096xf32, #tpu.memory_space<vmem>>[vector<16xi32>, vector<16xi32>], vector<16xf32>, vector<16xi1>
          %broadcast_in_dim3A_324 = arith.constant 1 : i32
          %broadcast_in_dim3A_325 = vector.broadcast %broadcast_in_dim3A_324 : i32 to vector<16xi32>
          %gather3A_326 = tpu.vector_load_idx %arg6[%broadcast_in_dim3A_325, %sub3A_321] masked %lt3A_318 : memref<8x672xf32, #tpu.memory_space<vmem>>[vector<16xi32>, vector<16xi32>], vector<16xf32>, vector<16xi1>
          tpu.vector_store_idx %arg7[%broadcast_in_dim3A_325, %get3A_312], %gather3A_326 masked %lt3A_318 : memref<8x4096xf32, #tpu.memory_space<vmem>>[vector<16xi32>, vector<16xi32>], vector<16xf32>, vector<16xi1>
          %broadcast_in_dim3A_327 = arith.constant 2 : i32
          %broadcast_in_dim3A_328 = vector.broadcast %broadcast_in_dim3A_327 : i32 to vector<16xi32>
          %gather3A_329 = tpu.vector_load_idx %arg6[%broadcast_in_dim3A_328, %sub3A_321] masked %lt3A_318 : memref<8x672xf32, #tpu.memory_space<vmem>>[vector<16xi32>, vector<16xi32>], vector<16xf32>, vector<16xi1>
          tpu.vector_store_idx %arg7[%broadcast_in_dim3A_328, %get3A_312], %gather3A_329 masked %lt3A_318 : memref<8x4096xf32, #tpu.memory_space<vmem>>[vector<16xi32>, vector<16xi32>], vector<16xf32>, vector<16xi1>
          %broadcast_in_dim3A_330 = arith.constant 3 : i32
          %broadcast_in_dim3A_331 = vector.broadcast %broadcast_in_dim3A_330 : i32 to vector<16xi32>
          %gather3A_332 = tpu.vector_load_idx %arg6[%broadcast_in_dim3A_331, %sub3A_321] masked %lt3A_318 : memref<8x672xf32, #tpu.memory_space<vmem>>[vector<16xi32>, vector<16xi32>], vector<16xf32>, vector<16xi1>
          tpu.vector_store_idx %arg7[%broadcast_in_dim3A_331, %get3A_312], %gather3A_332 masked %lt3A_318 : memref<8x4096xf32, #tpu.memory_space<vmem>>[vector<16xi32>, vector<16xi32>], vector<16xf32>, vector<16xi1>
          %broadcast_in_dim3A_333 = arith.constant 4 : i32
          %broadcast_in_dim3A_334 = vector.broadcast %broadcast_in_dim3A_333 : i32 to vector<16xi32>
          %gather3A_335 = tpu.vector_load_idx %arg6[%broadcast_in_dim3A_334, %sub3A_321] masked %lt3A_318 : memref<8x672xf32, #tpu.memory_space<vmem>>[vector<16xi32>, vector<16xi32>], vector<16xf32>, vector<16xi1>
          tpu.vector_store_idx %arg7[%broadcast_in_dim3A_334, %get3A_312], %gather3A_335 masked %lt3A_318 : memref<8x4096xf32, #tpu.memory_space<vmem>>[vector<16xi32>, vector<16xi32>], vector<16xf32>, vector<16xi1>
          %broadcast_in_dim3A_336 = arith.constant 5 : i32
          %broadcast_in_dim3A_337 = vector.broadcast %broadcast_in_dim3A_336 : i32 to vector<16xi32>
          %gather3A_338 = tpu.vector_load_idx %arg6[%broadcast_in_dim3A_337, %sub3A_321] masked %lt3A_318 : memref<8x672xf32, #tpu.memory_space<vmem>>[vector<16xi32>, vector<16xi32>], vector<16xf32>, vector<16xi1>
          tpu.vector_store_idx %arg7[%broadcast_in_dim3A_337, %get3A_312], %gather3A_338 masked %lt3A_318 : memref<8x4096xf32, #tpu.memory_space<vmem>>[vector<16xi32>, vector<16xi32>], vector<16xf32>, vector<16xi1>
          %broadcast_in_dim3A_339 = arith.constant 6 : i32
          %broadcast_in_dim3A_340 = vector.broadcast %broadcast_in_dim3A_339 : i32 to vector<16xi32>
          %gather3A_341 = tpu.vector_load_idx %arg6[%broadcast_in_dim3A_340, %sub3A_321] masked %lt3A_318 : memref<8x672xf32, #tpu.memory_space<vmem>>[vector<16xi32>, vector<16xi32>], vector<16xf32>, vector<16xi1>
          tpu.vector_store_idx %arg7[%broadcast_in_dim3A_340, %get3A_312], %gather3A_341 masked %lt3A_318 : memref<8x4096xf32, #tpu.memory_space<vmem>>[vector<16xi32>, vector<16xi32>], vector<16xf32>, vector<16xi1>
          %broadcast_in_dim3A_342 = arith.constant 7 : i32
          %broadcast_in_dim3A_343 = vector.broadcast %broadcast_in_dim3A_342 : i32 to vector<16xi32>
          %gather3A_344 = tpu.vector_load_idx %arg6[%broadcast_in_dim3A_343, %sub3A_321] masked %lt3A_318 : memref<8x672xf32, #tpu.memory_space<vmem>>[vector<16xi32>, vector<16xi32>], vector<16xf32>, vector<16xi1>
          tpu.vector_store_idx %arg7[%broadcast_in_dim3A_343, %get3A_312], %gather3A_344 masked %lt3A_318 : memref<8x4096xf32, #tpu.memory_space<vmem>>[vector<16xi32>, vector<16xi32>], vector<16xf32>, vector<16xi1>
          %while3A_345 = arith.constant 0 : i32
          scf.yield %while3A_345 : i32
        }
        %while3A_294 = arith.constant 1 : i32
        %while3A_295 = scf.for %while3A_303 = %while3A_291 to %while3A_287 step %while3A_294 iter_args(%while3A_304 = %while3A_293) -> (i32)  : i32 {
          %mul3A_305 = arith.constant 16 : i32
          %mul3A_306 = arith.muli %while3A_303, %mul3A_305 : i32
          %add3A_307 = arith.addi %multiple_of3A_262, %mul3A_306 : i32
          %multiple_of3A_308 = tpu.assume_multiple %add3A_307, 8 : i32
          %get3A_309 = arith.index_cast %multiple_of3A_308 : i32 to index
          %get3A_310 = tpu.vector_load %arg9[%get3A_309] {strides = array<i32>} : memref<5568xi32, #tpu.memory_space<vmem>>, vector<16xi32>,
          %get3A_311 = arith.index_cast %multiple_of3A_308 : i32 to index
          %get3A_312 = tpu.vector_load %arg10[%get3A_311] {strides = array<i32>} : memref<5568xi32, #tpu.memory_space<vmem>>, vector<16xi32>,
          %mul3A_313 = arith.constant 16 : i32
          %mul3A_314 = arith.muli %while3A_303, %mul3A_313 : i32
          %add3A_315 = vector.broadcast %mul3A_314 : i32 to vector<16xi32>
          %add3A_316 = arith.addi %add3A_315, %iota3A : vector<16xi32>
          %lt3A_317 = vector.broadcast %reduce_max3A_280 : i32 to vector<16xi32>
          %lt3A_318 = arith.cmpi slt, %add3A_316, %lt3A_317 : vector<16xi32>
          %sub3A_319 = arith.constant 99328 : i32
          %sub3A_320 = vector.broadcast %sub3A_319 : i32 to vector<16xi32>
          %sub3A_321 = arith.subi %get3A_310, %sub3A_320 : vector<16xi32>
          %broadcast_in_dim3A_322 = arith.constant 0 : i32
          %broadcast_in_dim3A_323 = vector.broadcast %broadcast_in_dim3A_322 : i32 to vector<16xi32>
          %gather3A = tpu.vector_load_idx %arg6[%broadcast_in_dim3A_323, %sub3A_321] masked %lt3A_318 : memref<8x672xf32, #tpu.memory_space<vmem>>[vector<16xi32>, vector<16xi32>], vector<16xf32>, vector<16xi1>
          tpu.vector_store_idx %arg7[%broadcast_in_dim3A_323, %get3A_312], %gather3A masked %lt3A_318 : memref<8x4096xf32, #tpu.memory_space<vmem>>[vector<16xi32>, vector<16xi32>], vector<16xf32>, vector<16xi1>
          %broadcast_in_dim3A_324 = arith.constant 1 : i32
          %broadcast_in_dim3A_325 = vector.broadcast %broadcast_in_dim3A_324 : i32 to vector<16xi32>
          %gather3A_326 = tpu.vector_load_idx %arg6[%broadcast_in_dim3A_325, %sub3A_321] masked %lt3A_318 : memref<8x672xf32, #tpu.memory_space<vmem>>[vector<16xi32>, vector<16xi32>], vector<16xf32>, vector<16xi1>
          tpu.vector_store_idx %arg7[%broadcast_in_dim3A_325, %get3A_312], %gather3A_326 masked %lt3A_318 : memref<8x4096xf32, #tpu.memory_space<vmem>>[vector<16xi32>, vector<16xi32>], vector<16xf32>, vector<16xi1>
          %broadcast_in_dim3A_327 = arith.constant 2 : i32
          %broadcast_in_dim3A_328 = vector.broadcast %broadcast_in_dim3A_327 : i32 to vector<16xi32>
          %gather3A_329 = tpu.vector_load_idx %arg6[%broadcast_in_dim3A_328, %sub3A_321] masked %lt3A_318 : memref<8x672xf32, #tpu.memory_space<vmem>>[vector<16xi32>, vector<16xi32>], vector<16xf32>, vector<16xi1>
          tpu.vector_store_idx %arg7[%broadcast_in_dim3A_328, %get3A_312], %gather3A_329 masked %lt3A_318 : memref<8x4096xf32, #tpu.memory_space<vmem>>[vector<16xi32>, vector<16xi32>], vector<16xf32>, vector<16xi1>
          %broadcast_in_dim3A_330 = arith.constant 3 : i32
          %broadcast_in_dim3A_331 = vector.broadcast %broadcast_in_dim3A_330 : i32 to vector<16xi32>
          %gather3A_332 = tpu.vector_load_idx %arg6[%broadcast_in_dim3A_331, %sub3A_321] masked %lt3A_318 : memref<8x672xf32, #tpu.memory_space<vmem>>[vector<16xi32>, vector<16xi32>], vector<16xf32>, vector<16xi1>
          tpu.vector_store_idx %arg7[%broadcast_in_dim3A_331, %get3A_312], %gather3A_332 masked %lt3A_318 : memref<8x4096xf32, #tpu.memory_space<vmem>>[vector<16xi32>, vector<16xi32>], vector<16xf32>, vector<16xi1>
          %broadcast_in_dim3A_333 = arith.constant 4 : i32
          %broadcast_in_dim3A_334 = vector.broadcast %broadcast_in_dim3A_333 : i32 to vector<16xi32>
          %gather3A_335 = tpu.vector_load_idx %arg6[%broadcast_in_dim3A_334, %sub3A_321] masked %lt3A_318 : memref<8x672xf32, #tpu.memory_space<vmem>>[vector<16xi32>, vector<16xi32>], vector<16xf32>, vector<16xi1>
          tpu.vector_store_idx %arg7[%broadcast_in_dim3A_334, %get3A_312], %gather3A_335 masked %lt3A_318 : memref<8x4096xf32, #tpu.memory_space<vmem>>[vector<16xi32>, vector<16xi32>], vector<16xf32>, vector<16xi1>
          %broadcast_in_dim3A_336 = arith.constant 5 : i32
          %broadcast_in_dim3A_337 = vector.broadcast %broadcast_in_dim3A_336 : i32 to vector<16xi32>
          %gather3A_338 = tpu.vector_load_idx %arg6[%broadcast_in_dim3A_337, %sub3A_321] masked %lt3A_318 : memref<8x672xf32, #tpu.memory_space<vmem>>[vector<16xi32>, vector<16xi32>], vector<16xf32>, vector<16xi1>
          tpu.vector_store_idx %arg7[%broadcast_in_dim3A_337, %get3A_312], %gather3A_338 masked %lt3A_318 : memref<8x4096xf32, #tpu.memory_space<vmem>>[vector<16xi32>, vector<16xi32>], vector<16xf32>, vector<16xi1>
          %broadcast_in_dim3A_339 = arith.constant 6 : i32
          %broadcast_in_dim3A_340 = vector.broadcast %broadcast_in_dim3A_339 : i32 to vector<16xi32>
          %gather3A_341 = tpu.vector_load_idx %arg6[%broadcast_in_dim3A_340, %sub3A_321] masked %lt3A_318 : memref<8x672xf32, #tpu.memory_space<vmem>>[vector<16xi32>, vector<16xi32>], vector<16xf32>, vector<16xi1>
          tpu.vector_store_idx %arg7[%broadcast_in_dim3A_340, %get3A_312], %gather3A_341 masked %lt3A_318 : memref<8x4096xf32, #tpu.memory_space<vmem>>[vector<16xi32>, vector<16xi32>], vector<16xf32>, vector<16xi1>
          %broadcast_in_dim3A_342 = arith.constant 7 : i32
          %broadcast_in_dim3A_343 = vector.broadcast %broadcast_in_dim3A_342 : i32 to vector<16xi32>
          %gather3A_344 = tpu.vector_load_idx %arg6[%broadcast_in_dim3A_343, %sub3A_321] masked %lt3A_318 : memref<8x672xf32, #tpu.memory_space<vmem>>[vector<16xi32>, vector<16xi32>], vector<16xf32>, vector<16xi1>
          tpu.vector_store_idx %arg7[%broadcast_in_dim3A_343, %get3A_312], %gather3A_344 masked %lt3A_318 : memref<8x4096xf32, #tpu.memory_space<vmem>>[vector<16xi32>, vector<16xi32>], vector<16xf32>, vector<16xi1>
          %while3A_345 = arith.constant 0 : i32
          scf.yield %while3A_345 : i32
        }
        %dma_start3A = arith.constant 0 : i32
        %dma_start3A_296 = arith.constant 0 : i32
        %dma_start3A_297 = tpu.memref_slice %arg4[%shift_right_arithmetic3A_25, %and3A_26, %dma_start3A, %dma_start3A_296] : memref<26x4x8x4096xf32, #tpu.memory_space<hbm>> -> memref<1x1x8x4096xf32, #tpu.memory_space<hbm>>
        %dma_start3A_298 = tpu.memref_squeeze %dma_start3A_297 : memref<1x1x8x4096xf32, #tpu.memory_space<hbm>> -> memref<8x4096xf32, #tpu.memory_space<hbm>>
        %dma_start3A_299 = arith.constant 0 : i32
        %dma_start3A_300 = arith.constant 0 : i32
        %dma_start3A_301 = tpu.memref_slice %arg4[%shift_right_arithmetic3A_25, %and3A_26, %dma_start3A_299, %dma_start3A_300] : memref<26x4x8x4096xf32, #tpu.memory_space<hbm>> -> memref<1x1x8x4096xf32, #tpu.memory_space<hbm>>
        %dma_start3A_302 = tpu.memref_squeeze %dma_start3A_301 : memref<1x1x8x4096xf32, #tpu.memory_space<hbm>> -> memref<8x4096xf32, #tpu.memory_space<hbm>>
        tpu.enqueue_dma source(%arg7 : memref<8x4096xf32, #tpu.memory_space<vmem>>) target(%dma_start3A_302 : memref<8x4096xf32, #tpu.memory_space<hbm>>) target_semaphore(%arg15 : memref<!tpu.dma_semaphore, #tpu.memory_space<semaphore_mem>>)
      } else {
      }
      %scan3A_24 = arith.constant 0 : i32
      scf.yield %scan3A_24 : i32
    }
    %scan3A_7 = arith.constant 4 : i32
    %dma_wait3A = arith.constant 0 : i32
    %dma_wait3A_8 = arith.constant 0 : i32
    %dma_wait3A_9 = arith.constant 0 : i32
    %dma_wait3A_10 = arith.constant 0 : i32
    %dma_wait3A_11 = tpu.memref_slice %arg4[%dma_wait3A, %dma_wait3A_8, %dma_wait3A_9, %dma_wait3A_10] : memref<26x4x8x4096xf32, #tpu.memory_space<hbm>> -> memref<1x1x8x4096xf32, #tpu.memory_space<hbm>>
    %dma_wait3A_12 = tpu.memref_squeeze %dma_wait3A_11 : memref<1x1x8x4096xf32, #tpu.memory_space<hbm>> -> memref<8x4096xf32, #tpu.memory_space<hbm>>
    %dma_wait3A_13 = arith.constant 0 : i32
    %dma_wait3A_14 = arith.constant 0 : i32
    %dma_wait3A_15 = tpu.memref_slice %arg4[%dma_wait3A, %dma_wait3A_8, %dma_wait3A_13, %dma_wait3A_14] : memref<26x4x8x4096xf32, #tpu.memory_space<hbm>> -> memref<1x1x8x4096xf32, #tpu.memory_space<hbm>>
    %dma_wait3A_16 = tpu.memref_squeeze %dma_wait3A_15 : memref<1x1x8x4096xf32, #tpu.memory_space<hbm>> -> memref<8x4096xf32, #tpu.memory_space<hbm>>
    tpu.wait_dma2 semaphore(%arg15 : memref<!tpu.dma_semaphore, #tpu.memory_space<semaphore_mem>>) src(%dma_wait3A_16 : memref<8x4096xf32, #tpu.memory_space<hbm>>) dst(%arg7 : memref<8x4096xf32, #tpu.memory_space<vmem>>)
    return
  }
}

</mosaic_0001>

<sc_bundles>
// kernel: kernel.3.cloned.1.call-start
scs
__scs_entry_jumppad:
0x0: {  	(pc) =	sbr.rel $0x88, $3  }
0x1: {  	(tag) =	ssettag $0x0;
	lr =	simm.s32 $0x1  }
0x2: {  	[smem:$0x3F9F] =	sst lr;
	_ =	strace $0xD0000000  }
0x3: {  	_ = 	snop  }
0x4: {  	_ = 	snop  }
0x5: {  	_ = 	snop  }
0x6: {  	_ = 	snop  }
0x7: {  	_ = 	snop  }
__scs_overlays_trampoline_lowered:
0x8: {  	[smem:$0x3FAE] =	sst s0  }
0x9: {  	[smem:$0x3FAF] =	sst s1  }
0xa: {  	[smem:$0x3FB0] =	sst s2  }
0xb: {  	[smem:$0x3FB1] =	sst s3  }
0xc: {  	[smem:$0x3FB2] =	sst s4  }
0xd: {  	[smem:$0x3FB3] =	sst s5  }
0xe: {  	[smem:$0x3FB4] =	sst s6  }
0xf: {  	[smem:$0x3FB5] =	sst s7  }
0x10: {  	[smem:$0x3FB6] =	sst s8  }
0x11: {  	[smem:$0x3FB7] =	sst s9;
	s0 =	simm.s32 @!p0 $0x0  }
0x12: {  	s1 =	sld [smem:$0x3F9D];
	s0 =	simm.s32 @p0 $0x1  }
0x13: {  	[smem:$0x3FB8] =	sst s0;
	s0 =	simm.s32 @!p1 $0x0  }
0x14: {  	s2 =	sld [smem:$0x3F9C];
	s0 =	simm.s32 @p1 $0x1  }
0x15: {  	[smem:$0x3FB9] =	sst s0;
	s0 =	simm.s32 @!p2 $0x0  }
0x16: {  	s3 =	sld [smem:$0x3FDB];
	s0 =	simm.s32 @p2 $0x1  }
0x17: {  	s4 =	simm.s32 $0x1BF5;
	[smem:$0x3FBB] =	sst s0  }
0x18: {  	s0 =	sld [smem:$0x3F9E];
	_ =	swait.ge [sflag:s4], $0x0  }
0x19: {  	s7 =	sld [smem:$0x3F9F]  }
0x1a: {  	s8 =	sadd.s32 $0xFFFFE003, lr  }
0x1b: {  	s9 =	sadd.s32 $0xFFFFFEF7, lr;
	s5 =	simm.s32 $0xFFFFFFFF;
	p2 =	slt.u32 s8, $0xFFFFF086  }
0x1c: {  	p1 =	slt.u32 s9, $0xF7A;
	s5 =	simm.s32 @!p2 $0x0  }
0x1d: {  	s5 =	simm.s32 @p1 $0x1;
	p0 =	seq.s32 s7, s2  }
0x1e: {  	s7 =	smul.u32 @!p0 $0xF7A, s2;
	p2 =	seq.s32 @!p0 s5, $0x0  }
0x1f: {  	s9 =	smul.u32 $0xF7A, s1;
	s8 =	simm.s32 @!p0 $0x1BF5;
	p2 =	por !p2, p0  }
0x20: {  	[sflag:s8] =	ssyncset.s32 @!p0 $0xFFFFF086;
	s6 =	sadd.s32 @!p0 s3, s7;
	s7 =	simm.s32 @!p0 $0x108  }
0x21: {  	s3 =	sadd.s32 s3, s9;
	s6 =	sadd.s32 @!p0 $0x88, s6;
	s7 =	simm.s32 @p2 $0x1082  }
0x22: {  	[simem:s7], [sflag:s8] =	dma.local @!p0 [hbm:s6], $0xF7A  }
0x23: {  	s9 =	sor.u32 $0xD0000000, s2;
	s6 =	simm.s32 $0x108;
	_ =	swait.ge @!p0 [sflag:s8], $0x0  }
0x24: {  	s3 =	sadd.s32 $0x88, s3;
	s6 =	simm.s32 @!p1 $0x1082;
	[sflag:s4] =	ssyncset.s32 $0xFFFFF086  }
0x25: {  	[simem:s6], [sflag:s4] =	dma.local [hbm:s3], $0xF7A  }
0x26: {  	[smem:$0x3F9F] =	sst s1;
	(tag) =	ssettag s2;
	_ =	strace s9  }
0x27: {  	s1 =	sld [smem:$0x3FAF]  }
0x28: {  	s2 =	sld [smem:$0x3FB0]  }
0x29: {  	s4 =	sld [smem:$0x3FB2]  }
0x2a: {  	p0 =	seq.s32 s5, $0x0;
	s5 =	sld [smem:$0x3FB3]  }
0x2b: {  	s6 =	sld [smem:$0x3FB4]  }
0x2c: {  	s7 =	sld [smem:$0x3FB5]  }
0x2d: {  	s3 =	simm.s32 $0x108;
	s8 =	sld [smem:$0x3FB6]  }
0x2e: {  	s3 =	simm.s32 @!p0 $0x1082;
	s9 =	sld [smem:$0x3FB7]  }
0x2f: {  	lr =	sadd.s32 s0, s3;
	s0 =	sld [smem:$0x3FAE]  }
0x30: {  	s3 =	sld [smem:$0x3FB1]  }
0x31: {  	[smem:$0x3FBA] =	sst s10  }
0x32: {  	s10 =	sld [smem:$0x3FB8];
	_ =	sdelay $0x3  }
0x33: {  	p0 =	seq.s32 s10, $0x1;
	s10 =	sld [smem:$0x3FBA];
	_ =	sdelay $0x3  }
0x34: {  	[smem:$0x3FBA] =	sst s10  }
0x35: {  	s10 =	sld [smem:$0x3FB9];
	_ =	sdelay $0x3  }
0x36: {  	p1 =	seq.s32 s10, $0x1;
	s10 =	sld [smem:$0x3FBA];
	_ =	sdelay $0x3  }
0x37: {  	[smem:$0x3FBA] =	sst s10  }
0x38: {  	s10 =	sld [smem:$0x3FBB]  }
0x39: {  	_ = 	snop;
	(pc) =	sbr.ind lr, $3  }
0x3a: {  	_ = 	snop  }
0x3b: {  	_ = 	snop  }
0x3c: {  	p2 =	seq.s32 s10, $0x1;
	s10 =	sld [smem:$0x3FBA]  }
0x3d: {  	_ =	shalt  }
0x3e: {  	_ =	shalt  }
0x3f: {  	_ =	shalt  }
0x40: {  	_ =	shalt  }
0x41: {  	_ =	shalt  }
0x42: {  	_ =	shalt  }
0x43: {  	_ =	shalt  }
0x44: {  	_ =	shalt  }
0x45: {  	_ =	shalt  }
0x46: {  	_ =	shalt  }
0x47: {  	_ =	shalt  }
0x48: {  	_ =	shalt  }
0x49: {  	_ =	shalt  }
0x4a: {  	_ =	shalt  }
0x4b: {  	_ =	shalt  }
0x4c: {  	_ =	shalt  }
0x4d: {  	_ =	shalt  }
0x4e: {  	_ =	shalt  }
0x4f: {  	_ =	shalt  }
0x50: {  	_ =	shalt  }
0x51: {  	_ =	shalt  }
0x52: {  	_ =	shalt  }
0x53: {  	_ =	shalt  }
0x54: {  	_ =	shalt  }
0x55: {  	_ =	shalt  }
0x56: {  	_ =	shalt  }
0x57: {  	_ =	shalt  }
0x58: {  	_ =	shalt  }
0x59: {  	_ =	shalt  }
0x5a: {  	_ =	shalt  }
0x5b: {  	_ =	shalt  }
0x5c: {  	_ =	shalt  }
0x5d: {  	_ =	shalt  }
0x5e: {  	_ =	shalt  }
0x5f: {  	_ =	shalt  }
0x60: {  	_ =	shalt  }
0x61: {  	_ =	shalt  }
0x62: {  	_ =	shalt  }
0x63: {  	_ =	shalt  }
0x64: {  	_ =	shalt  }
0x65: {  	_ =	shalt  }
0x66: {  	_ =	shalt  }
0x67: {  	_ =	shalt  }
0x68: {  	_ =	shalt  }
0x69: {  	_ =	shalt  }
0x6a: {  	_ =	shalt  }
0x6b: {  	_ =	shalt  }
0x6c: {  	_ =	shalt  }
0x6d: {  	_ =	shalt  }
0x6e: {  	_ =	shalt  }
0x6f: {  	_ =	shalt  }
0x70: {  	_ =	shalt  }
0x71: {  	_ =	shalt  }
0x72: {  	_ =	shalt  }
0x73: {  	_ =	shalt  }
0x74: {  	_ =	shalt  }
0x75: {  	_ =	shalt  }
0x76: {  	_ =	shalt  }
0x77: {  	_ =	shalt  }
0x78: {  	_ =	shalt  }
0x79: {  	_ =	shalt  }
0x7a: {  	_ =	shalt  }
0x7b: {  	_ =	shalt  }
0x7c: {  	_ =	shalt  }
0x7d: {  	_ =	shalt  }
0x7e: {  	_ =	shalt  }
0x7f: {  	_ =	shalt  }
0x80: {  	_ =	shalt  }
0x81: {  	_ =	shalt  }
0x82: {  	_ =	shalt  }
0x83: {  	_ =	shalt  }
0x84: {  	_ =	shalt  }
0x85: {  	_ =	shalt  }
0x86: {  	_ =	shalt  }
0x87: {  	_ =	shalt  }
.Lfunc_end0:
.L_simem_size_0:
called_computation_lowered:
.L_overlay_start_0:
0x88: {  	s2 =	sld [smem:$0x3FD9]  }
0x89: {  	s3 =	sld [smem:$0x3FFE];
	_ =	sdelay $0x1  }
0x8a: {  	s1 =	srdreg.scid  }
0x8b: {  	s0 =	sand.u32 $0x1, s1  }
0x8c: {  	s17 =	sshll.u32 s0, $0xA;
	s2 =	sadd.s32 s3, s2  }
0x8d: {  	s2 =	sadd.s32 s2, s17  }
0x8e: {  	[smem:$0x3FC6] =	sst s2  }
0x8f: {  	_ = 	snop  }
0x90: {  	s2 =	sld [smem:$0x3FC8]  }
0x91: {  	s18 =	sld [smem:$0x3FD0];
	(tm) =	ssettm $0x1  }
0x92: {  	s4 =	sld [smem:$0x3FFB];
	_ =	sdelay $0x3  }
0x93: {  	_ =	strace s4  }
0x94: {  	s4 =	sld [smem:$0x3FFC];
	_ =	sdelay $0x3  }
0x95: {  	_ =	strace s4  }
0x96: {  	s4 =	sld [smem:$0x3FFD];
	_ =	sdelay $0x3  }
0x97: {  	_ =	strace s4  }
0x98: {  	_ =	strace $0x8FFFFFFF  }
0x99: {  	s19 =	sld [smem:$0x3FDB];
	_ =	sdelay $0x1  }
0x9a: {  	s5 =	simm.s32 $_scs_section_size  }
0x9b: {  	s6 =	simm.s32 $_size__tile_overlayer_lowered;
	s7 =	simm.s32 $_tile_overlayer_lowered  }
0x9c: {  	s22 =	simm.s32 $0x1BFF;
	s21 =	sshll.u32 s7, $0x1;
	s4 =	sadd.s32 s5, s19  }
0x9d: {  	s8 =	simm.s32 $0x0;
	s20 =	sshll.u32 s6, $0x1;
	s6 =	sadd.s32 s21, s4  }
0x9e: {  	[timem:s8], [sflag:s22] =	dma.local [hbm:s6], s20  }
0x9f: {  	_ =	swait.ge [sflag:s22], s20  }
0xa0: {  	s5 =	ssub.s32 $0x0, s20;
	[sflag:s22] =	ssyncset.done $0x0  }
0xa1: {  	[sflag:s22] =	ssyncadd.s32 s5;
	_ =	sdelay $0x1  }
0xa2: {  	s23 =	simm.s32 $0x1B8B  }
0xa3: {  	_ =	swait.ge [sflag:s23], $0x1  }
0xa4: {  	[sflag:s23] =	ssyncset.done $0x0  }
0xa5: {  	s25 =	simm.s32 $0x1B8E;
	s24 =	sld [smem:$0x3FFE];
	[sflag:s23] =	ssyncadd.s32 $0xFFFFFFFF  }
0xa6: {  	s26 =	simm.s32 $execute0_lowered;
	[smem:$0x3FD2] =	sst s25  }
0xa7: {  	s6 =	sshll.u32 s26, $0x1;
	_ =	strace $0x80000046;
	[dreg:$0x1] =	wrdreg $0xFFFFFFFF  }
0xa8: {  	s28 =	simm.s32 $_size_execute0_lowered;
	s4 =	sadd.s32 s4, s6;
	[dreg:$0x0] =	wrdreg $0x0  }
0xa9: {  	s6 =	sshll.u32 s28, $0x1;
	[dreg:$0x2] =	wrdreg s4  }
0xaa: {  	[dreg:$0x3] =	wrdreg s6  }
0xab: {  	[dreg:$0x4] =	wrdreg $0xC0  }
0xac: {  	_ =	task [dreg:s8], $0x5FFFF  }
0xad: {  	[dreg:$0x1] =	wrdreg $0xFFFFFFFF  }
0xae: {  	[dreg:$0x0] =	wrdreg $0x60  }
0xaf: {  	[dreg:$0x2] =	wrdreg s24  }
0xb0: {  	[dreg:$0x3] =	wrdreg s2  }
0xb1: {  	[dreg:$0x4] =	wrdreg s18  }
0xb2: {  	[dreg:$0x5] =	wrdreg $0x9  }
0xb3: {  	_ =	task.clear_ibuf [dreg:s8], $0x6FFFF;
	_ =	strace $0x90000046  }
0xb4: {  	s29 =	simm.s32 $0x9;
	_ =	strace $0x80000048  }
0xb5: {  	_ =	swait.ge [sflag:s29], $0x1  }
0xb6: {  	[sflag:s29] =	ssyncadd.s32 $0xFFFFFFFF  }
0xb7: {  	_ =	strace $0x90000048  }
0xb8: {  	_ =	sfence  }
0xb9: {  	s30 =	sld [smem:$0x0];
	_ =	sdelay $0x2  }
0xba: {  	s31 =	sshll.u32 s1, $0xD;
	s1 =	sshrl.u32 s1, $0x2  }
0xbb: {  	s3 =	sand.u32 $0x4000, s31;
	s1 =	sadd.s32 s1, s30  }
0xbc: {  	s0 =	sor.u32 s3, s0;
	s1 =	sshll.u32 s1, $0x11  }
0xbd: {  	s0 =	sor.u32 s1, s0  }
0xbe: {  	s0 =	sadd.s32 $0x8F2B, s0  }
0xbf: {  	[sflag:s0] =	ssyncadd.remote.s32 $0x1  }
0xc0: {  	_ =	sfence.sel $0xFFFF  }
0xc1: {  	[dreg:$0x0] =	wrdreg $0xFFFFFFFF;
	(pc) =	sbr.abs _section_cstart, $3  }
0xc2: {  	[dreg:$0x1] =	wrdreg $0xFFFFFFFF  }
0xc3: {  	_ =	task.clear_ibuf [dreg:s8], $0x2FFFF;
	_ =	strace $0x9FFFFFFF  }
0xc4: {  	(tm) =	ssettm $0x7FFFFFFF  }
0xc5: {  	_ =	shalt  }
tec
execute0_lowered:
.L_overlay_start_1:
0x0: {  	(tag) =	ssettag $0x1  }
0x1: {  	s1 =	rddreg [dreg:$0x0]  }
0x2: {  	s2 =	rddreg [dreg:$0x1];
	s3 =	srdreg.scid  }
0x3: {  	s0 =	stileid.u32;
	s8 =	rddreg [dreg:$0x2];
	s11 =	simm.s32 $0x3  }
0x4: {  	s12 =	simm.s32 $0x1D400;
	s13 =	simm.s32 $0x1D500;
	s14 =	simm.s32 $0x1A800  }
0x5: {  	s15 =	simm.s32 $0x1BE00;
	s16 =	simm.s32 $0x1;
	s17 =	simm.s32 $0x11800  }
0x6: {  	s18 =	simm.s32 $0x10000;
	s19 =	simm.s32 $0x2;
	s20 =	simm.s32 $0x0  }
0x7: {  	s5 =	sand.u32 $0x1, s3;
	s4 =	sshll.u32 s0, $0x1;
	s3 =	simm.s32 $0x0  }
.Ltmp0:
0x8: {  	s6 =	sadd.s32 $0x400, s1;
	s4 =	sor.u32 s5, s4;
	(pc) =	sbr.rel .LBB2_1-.Ltmp0, $4  }
0x9: {  	[smem:$0x7FF] =	sst s3;
	s9 =	ssub.s32 $0x2, s5;
	s7 =	sand.u32 $0x3, s4  }
0xa: {  	s31 =	sshrl.u32 s9, $0x1;
	s5 =	smul.u32 $0xC3800, s7;
	s10 =	sshll.u32 s7, $0xC  }
0xb: {  	_ =	strace $0x80000047;
	s1 =	ssub.s32 s9, s31;
	s8 =	sadd.s32 s8, s10  }
0xc: {  	v0 =	vimm.s32 $0x0;
	v1 =	vlaneseq.u32;
	vm0 =	vcmask $0x308;
	s9 =	smax.u32 s1, $0x1;
	s10 =	simm.s32 $0x19800;
	s7 =	sadd.s32 $0xC2000, s5  }
.LBB2_19:
0xd: {  	s20 =	sadd.s32 $0x1, s20  }
0xe: {  	p0 =	sne.s32 s20, s9  }
.Ltmp1:
0xf: {  	_ = 	snop;
	(pc) =	sbr.rel @!p0 .LBB2_20-.Ltmp1, $4  }
0x10: {  	_ = 	snop  }
0x11: {  	_ =	swait.ge [sflag:s19], $0x8000  }
0x12: {  	[sflag:s19] =	ssyncset.done $0x0  }
0x13: {  	[sflag:s19] =	ssyncadd.s32 $0xFFFF8000  }
.LBB2_1:
.Ltmp2:
0x14: {  	(pc) =	sbr.rel .LBB2_2-.Ltmp2, $2  }
0x15: {  	_ =	sdelay $0x2  }
0x16: {  	s21 =	simm.s32 $0x0  }
.LBB2_16:
0x17: {  	_ =	sdelay $0x4  }
0x18: {  	[tilespmem:v4+s17+$0x0] =	vst.idx.msk vm1, v3  }
.LBB2_17:
0x19: {  	s1 =	sshll.u32 s22, $0xE  }
0x1a: {  	s1 =	sadd.s32 s1, s8  }
0x1b: {  	[hbm4b:s1+s3] =	stream.linear.scatter [tilespmem:s17], [sflag:$0x2], $0x8000, $0x38;
	[tilespmem:$0x1D580] =	vst v63  }
.LBB2_18:
0x1c: {  	s21 =	sadd.s32 $0x1, s21  }
0x1d: {  	p0 =	sne.s32 s21, $0x4  }
.Ltmp3:
0x1e: {  	_ = 	snop;
	(pc) =	sbr.rel @!p0 .LBB2_19-.Ltmp3, $1  }
0x1f: {  	_ =	sdelay $0x3  }
.LBB2_2:
0x20: {  	s1 =	sshll.u32 s21, $0x5  }
0x21: {  	s23 =	sor.u32 s4, s1  }
0x22: {  	p0 =	sgt.u32 s23, $0x67  }
.Ltmp4:
0x23: {  	_ = 	snop;
	(pc) =	sbr.rel @p0 .LBB2_18-.Ltmp4, $1  }
0x24: {  	_ =	sdelay $0x3  }
0x25: {  	s22 =	sshrl.u32 s23, $0x2;
	p0 =	sne.s32 s21, $0x0  }
0x26: {  	s1 =	smul.u32 @!p0 $0x30E000, s22;
	_ =	sdelay $0x1  }
0x27: {  	s1 =	sadd.s32 @!p0 s5, s1  }
0x28: {  	s1 =	sshrl.u32 @!p0 s1, $0x3  }
0x29: {  	s24 =	simm.s32 @!p0 $0x0;
	s1 =	sadd.s32 @!p0 s2, s1  }
0x2a: {  	[tilespmem:s24], [sflag:$0x1] =	stream.linear.gather @!p0 [hbm4b:s1+s24], $0x2000, $0x38;
	[tilespmem:$0x1D580] =	vst v63  }
0x2b: {  	s26 =	simm.s32 @!p0 $0x2000;
	s25 =	sadd.s32 @!p0 $0x400, s1  }
0x2c: {  	[tilespmem:s26], [sflag:$0x1] =	stream.linear.gather @!p0 [hbm4b:s25+s24], $0x2000, $0x38;
	[tilespmem:$0x1D580] =	vst v63  }
0x2d: {  	s25 =	sadd.s32 @!p0 $0x800, s1;
	s26 =	simm.s32 @!p0 $0x4000  }
0x2e: {  	[tilespmem:s26], [sflag:$0x1] =	stream.linear.gather @!p0 [hbm4b:s25+s24], $0x2000, $0x38;
	[tilespmem:$0x1D580] =	vst v63  }
0x2f: {  	s25 =	sadd.s32 @!p0 $0xC00, s1;
	s26 =	simm.s32 @!p0 $0x6000  }
0x30: {  	[tilespmem:s26], [sflag:$0x1] =	stream.linear.gather @!p0 [hbm4b:s25+s24], $0x2000, $0x38;
	[tilespmem:$0x1D580] =	vst v63  }
0x31: {  	s25 =	sadd.s32 @!p0 $0x1000, s1;
	s26 =	simm.s32 @!p0 $0x8000  }
0x32: {  	[tilespmem:s26], [sflag:$0x1] =	stream.linear.gather @!p0 [hbm4b:s25+s24], $0x2000, $0x38;
	[tilespmem:$0x1D580] =	vst v63  }
0x33: {  	s25 =	sadd.s32 @!p0 $0x1400, s1;
	s26 =	simm.s32 @!p0 $0xA000  }
0x34: {  	[tilespmem:s26], [sflag:$0x1] =	stream.linear.gather @!p0 [hbm4b:s25+s24], $0x2000, $0x38;
	[tilespmem:$0x1D580] =	vst v63  }
0x35: {  	s25 =	sadd.s32 @!p0 $0x1800, s1;
	s26 =	simm.s32 @!p0 $0xC000  }
0x36: {  	[tilespmem:s26], [sflag:$0x1] =	stream.linear.gather @!p0 [hbm4b:s25+s24], $0x2000, $0x38;
	[tilespmem:$0x1D580] =	vst v63  }
0x37: {  	s30 =	sshll.u32 s22, $0x9;
	s1 =	sadd.s32 @!p0 $0x1C00, s1;
	s25 =	simm.s32 @!p0 $0xE000  }
0x38: {  	[tilespmem:s25], [sflag:$0x1] =	stream.linear.gather @!p0 [hbm4b:s1+s24], $0x2000, $0x38;
	[tilespmem:$0x1D580] =	vst v63  }
0x39: {  	s31 =	simm.s32 $0x0;
	s1 =	sadd.s32 s6, s30  }
0x3a: {  	[tilespmem:s10], [sflag:$0x3] =	stream.linear.gather [hbm4b:s1+s31], $0x1000, $0x38;
	[tilespmem:$0x1D580] =	vst v63  }
0x3b: {  	_ =	swait.ge [sflag:s11], $0x1000  }
0x3c: {  	[sflag:s11] =	ssyncset.done $0x0  }
0x3d: {  	[sflag:s11] =	ssyncadd.s32 $0xFFFFF000  }
0x3e: {  	[tilespmem:$0x1D400] =	vst v0  }
0x3f: {  	[tilespmem:$0x1D410] =	vst v0  }
0x40: {  	[tilespmem:$0x1D420] =	vst v0  }
0x41: {  	[tilespmem:$0x1D430] =	vst v0  }
0x42: {  	[tilespmem:$0x1D440] =	vst v0  }
0x43: {  	[tilespmem:$0x1D450] =	vst v0  }
0x44: {  	s24 =	simm.s32 $0x0;
	s1 =	simm.s32 $0x40;
	[tilespmem:$0x1D460] =	vst v0  }
.LBB2_4:
0x45: {  	p0 =	sne.s32 s1, $0x3FC0;
	v2 =	vld [tilespmem:s24+$0x19800];
	_ =	sdelay $0x4  }
0x46: {  	v2 =	vshra.s32 v2, $0xA  }
0x47: {  	(xrf1) =	vunique.msk.u32 $0xffff, v2;
	_ =	sdelay $0xd  }
0x48: {  	_, v3, vm1 =	vpop (xrf1);
	_ =	sdelay $0x1  }
.Ltmp5:
0x49: {  	(pc) =	sbr.rel @p0 .LBB2_4-.Ltmp5, $2  }
0x4a: {  	_ =	sdelay $0x2  }
0x4b: {  	s24 =	sshra.s32 s1, $0x2;
	s1 =	sadd.s32 $0x40, s1;
	[tilespmem:v2+s12+$0x0] =	vst.idx.add.s32.msk vm1, v3  }
0x4c: {  	v2 =	vld [tilespmem:s24+$0x19800];
	_ =	sdelay $0x4  }
0x4d: {  	v2 =	vshra.s32 v2, $0xA  }
0x4e: {  	(xrf1) =	vunique.msk.u32 $0xffff, v2;
	_ =	sdelay $0xd  }
0x4f: {  	_, v3, vm1 =	vpop (xrf1);
	_ =	sdelay $0x5  }
0x50: {  	[tilespmem:v2+s12+$0x0] =	vst.idx.add.s32.msk vm1, v3  }
0x51: {  	v2 =	vld [tilespmem:$0x1D400]  }
0x52: {  	v3 =	vld [tilespmem:$0x1D410];
	_ =	sdelay $0x1  }
0x53: {  	v4 =	vld [tilespmem:$0x1D420];
	_ =	sdelay $0x1  }
0x54: {  	v5 =	vld [tilespmem:$0x1D430];
	v2 =	vadd.s32 $0xF, v2  }
0x55: {  	v3 =	vadd.s32 $0xF, v3;
	v2 =	vand.u32 $0xFFFFFFF0, v2  }
0x56: {  	v6 =	vld [tilespmem:$0x1D440];
	v3 =	vand.u32 $0xFFFFFFF0, v3;
	(xrf0) =	vadd.scan.msk.s32 $0xffff, v2  }
0x57: {  	v4 =	vadd.s32 $0xF, v4;
	(xrf0) =	vadd.scan.msk.s32 $0xffff, v3  }
0x58: {  	v7 =	vld [tilespmem:$0x1D450];
	v4 =	vand.u32 $0xFFFFFFF0, v4  }
0x59: {  	v5 =	vadd.s32 $0xF, v5;
	(xrf0) =	vadd.scan.msk.s32 $0xffff, v4  }
0x5a: {  	v5 =	vand.u32 $0xFFFFFFF0, v5  }
0x5b: {  	v6 =	vadd.s32 $0xF, v6;
	(xrf0) =	vadd.scan.msk.s32 $0xffff, v5  }
0x5c: {  	v6 =	vand.u32 $0xFFFFFFF0, v6;
	v8, _, _ =	vpop (xrf0)  }
0x5d: {  	v7 =	vadd.s32 $0xF, v7;
	(xrf0) =	vadd.scan.msk.s32 $0xffff, v6;
	(v2sf) =	vpush v8, $0xF;
	v9, _, _ =	vpop (xrf0)  }
0x5e: {  	v7 =	vand.u32 $0xFFFFFFF0, v7;
	(v2sf) =	vpush v9, $0xF  }
0x5f: {  	(xrf0) =	vadd.scan.msk.s32 $0xffff, v7;
	v10, _, _ =	vpop (xrf0)  }
0x60: {  	(v2sf) =	vpush v10, $0xF  }
0x61: {  	v11, _, _ =	vpop (xrf0)  }
0x62: {  	(v2sf) =	vpush v11, $0xF  }
0x63: {  	v12, _, _ =	vpop (xrf0)  }
0x64: {  	(v2sf) =	vpush v12, $0xF  }
0x65: {  	v13, _, _ =	vpop (xrf0)  }
0x66: {  	(v2sf) =	vpush v13, $0xF;
	_ =	sdelay $0x1  }
0x67: {  	v14 =	vld [tilespmem:$0x1D460];
	_ =	sdelay $0x2  }
0x68: {  	v2 =	vsub.s32 v8, v2;
	v8 =	vbroadcast v8, $0xF  }
0x69: {  	v3 =	vsub.s32 v9, v3;
	[tilespmem:$0x1D480] =	vst v2;
	s1 =	spop (v2sf)  }
0x6a: {  	[tilespmem:$0x1D500] =	vst v2;
	v2 =	vadd.s32 v8, v3;
	v3 =	vadd.s32 $0xF, v14;
	s26 =	spop (v2sf)  }
0x6b: {  	v4 =	vsub.s32 v10, v4;
	[tilespmem:$0x1D490] =	vst v2;
	v3 =	vand.u32 $0xFFFFFFF0, v3;
	s1 =	sadd.s32 s1, s26  }
0x6c: {  	[tilespmem:$0x1D510] =	vst v2;
	(xrf0) =	vadd.scan.msk.s32 $0xffff, v3;
	s28 =	spop (v2sf);
	v2 =	vadd.s32 s1, v4  }
0x6d: {  	v60 =	vsub.s32 v11, v5;
	s1 =	sadd.s32 s1, s28;
	[tilespmem:$0x1D4A0] =	vst v2  }
0x6e: {  	s29 =	spop (v2sf);
	[tilespmem:$0x1D520] =	vst v2;
	v2 =	vadd.s32 s1, v60  }
0x6f: {  	v61 =	vsub.s32 v12, v6;
	s1 =	sadd.s32 s1, s29;
	[tilespmem:$0x1D4B0] =	vst v2  }
0x70: {  	[tilespmem:$0x1D530] =	vst v2;
	v2 =	vadd.s32 s1, v61;
	s30 =	spop (v2sf)  }
0x71: {  	v62 =	vsub.s32 v13, v7;
	[tilespmem:$0x1D4C0] =	vst v2;
	s1 =	sadd.s32 s1, s30  }
0x72: {  	v63, _, _ =	vpop (xrf0);
	[tilespmem:$0x1D540] =	vst v2;
	s31 =	spop (v2sf);
	v2 =	vadd.s32 s1, v62  }
0x73: {  	v3 =	vsub.s32 v63, v3;
	s1 =	sadd.s32 s1, s31;
	[tilespmem:$0x1D4D0] =	vst v2  }
0x74: {  	[tilespmem:$0x1D550] =	vst v2;
	v2 =	vadd.s32 s1, v3  }
0x75: {  	[tilespmem:$0x1D4E0] =	vst v2  }
0x76: {  	s24 =	simm.s32 $0x19800;
	[tilespmem:$0x1D560] =	vst v2  }
0x77: {  	v2 =	vld [tilespmem:s24+$0x0];
	_ =	sdelay $0x1  }
0x78: {  	s25 =	simm.s32 $0x10;
	s1 =	simm.s32 $0x0  }
.LBB2_6:
0x79: {  	p0 =	sne.s32 s25, $0xFF0;
	_ =	sdelay $0x1  }
0x7a: {  	v3 =	vshra.s32 v2, $0xA  }
0x7b: {  	(xrf1) =	vunique.msk.u32 $0xffff, v3;
	_ =	sdelay $0x8  }
0x7c: {  	v4 =	vld.idx.msk [tilespmem:v3+s13+$0x0], $0xffff;
	_ =	sdelay $0x4  }
0x7d: {  	_, v5, vm1 =	vpop (xrf1)  }
0x7e: {  	v4 =	vadd.s32 v5, v4  }
0x7f: {  	v4 =	vadd.s32 $0xFFFFFFFF, v4;
	_ =	sdelay $0x4  }
0x80: {  	v6 =	vor.u32 s1, v1;
	s1 =	smov.u32 s25;
	[tilespmem:v4+s14+$0x0] =	vst.idx.msk $0xffff, v2  }
.Ltmp6:
0x81: {  	[tilespmem:v4+s15+$0x0] =	vst.idx.msk $0xffff, v6;
	(pc) =	sbr.rel @p0 .LBB2_6-.Ltmp6, $3  }
0x82: {  	s24 =	sadd.s32 $0x10, s24;
	[tilespmem:v3+s13+$0x0] =	vst.idx.add.s32.msk vm1, v5  }
0x83: {  	v2 =	vld [tilespmem:s24+$0x0];
	_ =	sdelay $0x1  }
0x84: {  	s25 =	sadd.s32 $0x10, s25  }
0x85: {  	_ =	sdelay $0x1  }
0x86: {  	v3 =	vshra.s32 v2, $0xA  }
0x87: {  	(xrf1) =	vunique.msk.u32 $0xffff, v3;
	_ =	sdelay $0x9  }
0x88: {  	v4 =	vld.idx.msk [tilespmem:v3+s13+$0x0], $0xffff;
	_ =	sdelay $0x3  }
0x89: {  	_, v5, vm1 =	vpop (xrf1)  }
0x8a: {  	v4 =	vadd.s32 v5, v4  }
0x8b: {  	v4 =	vadd.s32 $0xFFFFFFFF, v4;
	_ =	sdelay $0x4  }
0x8c: {  	v6 =	vor.u32 s1, v1;
	s25 =	smul.u32 $0x30E000, s22;
	[tilespmem:v4+s14+$0x0] =	vst.idx.msk $0xffff, v2  }
.Ltmp7:
0x8d: {  	p0 =	seq.s32 s21, $0x0;
	[tilespmem:v4+s15+$0x0] =	vst.idx.msk $0xffff, v6;
	(pc) =	sbr.rel .LBB2_8-.Ltmp7, $4  }
0x8e: {  	s1 =	simm.s32 @!p0 $0x2;
	[tilespmem:v3+s13+$0x0] =	vst.idx.add.s32.msk vm1, v5  }
0x8f: {  	s24 =	sadd.s32 s25, s7;
	_ =	swait.ge @!p0 [sflag:s1], $0x8000  }
0x90: {  	s26 =	simm.s32 $0x0;
	s31 =	sshrl.u32 s24, $0x3;
	[sflag:s1] =	ssyncset.done @!p0 $0x0  }
0x91: {  	s25 =	sadd.s32 s5, s25;
	s24 =	sadd.s32 s2, s31;
	[sflag:s1] =	ssyncadd.s32 @!p0 $0xFFFF8000  }
.LBB2_11:
0x92: {  	_ =	sdelay $0x4  }
0x93: {  	[tilespmem:v5+s17+$0x0] =	vst.idx.msk vm1, v4  }
.LBB2_12:
0x94: {  	s1 =	sadd.s32 $0x8, s26;
	p0 =	sgt.u32 s26, $0x58  }
0x95: {  	p1 =	sne.s32 @p0 s1, $0x61;
	s1 =	sshll.u32 @!p0 s1, $0xD  }
0x96: {  	p1 =	por p1, !p0;
	s1 =	sadd.s32 @!p0 s1, s25  }
0x97: {  	s28 =	simm.s32 @!p1 $0x0;
	s29 =	simm.s32 @!p1 $0x10000;
	s1 =	sshrl.u32 @!p0 s1, $0x3  }
0x98: {  	[tilespmem:s29], [sflag:$0x1] =	stream.linear.gather @!p1 [hbm4b:s24+s28], $0x1800, $0x38;
	[tilespmem:$0x1D580] =	vst v63  }
0x99: {  	s28 =	sshll.u32 @!p0 s26, $0xD;
	s1 =	sadd.s32 @!p0 s2, s1  }
0x9a: {  	s29 =	simm.s32 @!p0 $0x0;
	s26 =	sadd.s32 $0x1, s26;
	s28 =	sand.u32 @!p0 $0xE000, s28  }
0x9b: {  	[tilespmem:s28], [sflag:$0x1] =	stream.linear.gather @!p0 [hbm4b:s1+s29], $0x2000, $0x38;
	[tilespmem:$0x1D580] =	vst v63  }
0x9c: {  	p0 =	sne.s32 s26, $0x61  }
.Ltmp8:
0x9d: {  	_ = 	snop;
	(pc) =	sbr.rel @!p0 .LBB2_13-.Ltmp8, $1  }
0x9e: {  	_ =	sdelay $0x3  }
.LBB2_8:
0x9f: {  	_ =	swait.ge [sflag:s16], $0x2000  }
0xa0: {  	[sflag:s16] =	ssyncset.done $0x0  }
0xa1: {  	s1 =	sand.u32 $0x70, s26;
	[sflag:s16] =	ssyncadd.s32 $0xFFFFE000  }
0xa2: {  	v2 =	vld [tilespmem:s1+$0x1D480]  }
0xa3: {  	v3 =	vld [tilespmem:s1+$0x1D400];
	_ =	sdelay $0x1  }
0xa4: {  	s30 =	sand.u32 $0xF, s26  }
0xa5: {  	v4 =	vmov s30  }
0xa6: {  	vm1 =	veq.s32 v4, v1;
	v2 =	vxor.u32 $0x80000000, v2  }
0xa7: {  	v3 =	vxor.u32 $0x80000000, v3;
	v2 =	vnsel vm1, $0x80000000, v2  }
0xa8: {  	(xrf0) =	vmax.scan.msk.u32 $0xffff, v2;
	v2 =	vnsel vm1, $0x80000000, v3  }
0xa9: {  	(xrf0) =	vmax.scan.msk.u32 $0xffff, v2;
	_ =	sdelay $0x4  }
0xaa: {  	v2, _, _ =	vpop (xrf0)  }
0xab: {  	(v2sf) =	vpush v2, $0xF;
	v2, _, _ =	vpop (xrf0)  }
0xac: {  	(v2sf) =	vpush v2, $0xF;
	_ =	sdelay $0xd  }
0xad: {  	s28 =	spop (v2sf)  }
0xae: {  	s29 =	spop (v2sf)  }
0xaf: {  	s31 =	sadd.s32 $0x8000000F, s29  }
0xb0: {  	s1 =	sshra.s32 s31, $0x4  }
0xb1: {  	p0 =	slt.s32 s1, $0x1  }
.Ltmp9:
0xb2: {  	_ = 	snop;
	(pc) =	sbr.rel @p0 .LBB2_12-.Ltmp9, $1  }
0xb3: {  	_ =	sdelay $0x3  }
0xb4: {  	s28 =	sshll.u32 s28, $0x2  }
0xb5: {  	s30 =	sshra.s32 s28, $0x2  }
0xb6: {  	s28 =	sadd.s32 $0x1A800, s30  }
0xb7: {  	v4 =	vld [tilespmem:s28+$0x0];
	_ =	sdelay $0x2  }
0xb8: {  	s31 =	sshll.u32 s26, $0xA  }
0xb9: {  	v2 =	vmov s31  }
0xba: {  	s31 =	sxor.u32 $0x80000000, s29;
	s29 =	sadd.s32 $0x1BE00, s30;
	s30 =	simm.s32 $0x0;
	v5 =	vsub.s32 v4, v2  }
0xbb: {  	v3 =	vmov s31;
	v6 =	vor.u32 s30, v1;
	v7 =	vld [tilespmem:s29+$0x0];
	v5 =	vshll.u32 v5, $0x3  }
0xbc: {  	vm1 =	vlt.s32 v6, v3;
	v4 =	vand.u32 $0x7F, v4;
	v5 =	vand.u32 $0xFFFFFC00, v5  }
0xbd: {  	v4 =	vor.u32 v4, v5;
	_ =	sdelay $0x2  }
0xbe: {  	s31 =	sshll.u32 s26, $0xD;
	v5 =	vshll.u32 v7, $0x3  }
0xbf: {  	s31 =	sand.u32 $0xE000, s31;
	v6 =	vand.u32 $0x7F, v7;
	v5 =	vand.u32 $0xFFFFFC00, v5  }
0xc0: {  	v5 =	vor.u32 v6, v5;
	v7 =	vld.idx.msk [tilespmem:v4+s31+$0x0], vm1  }
0xc1: {  	v6 =	vor.u32 $0x80, v4;
	_ =	sdelay $0x3  }
0xc2: {  	[tilespmem:v5+s17+$0x0] =	vst.idx.msk vm1, v7  }
0xc3: {  	v7 =	vor.u32 $0x80, v5;
	v6 =	vld.idx.msk [tilespmem:v6+s31+$0x0], vm1  }
0xc4: {  	v8 =	vor.u32 $0x100, v4;
	_ =	sdelay $0x3  }
0xc5: {  	[tilespmem:v7+s17+$0x0] =	vst.idx.msk vm1, v6  }
0xc6: {  	v7 =	vor.u32 $0x100, v5;
	v6 =	vld.idx.msk [tilespmem:v8+s31+$0x0], vm1  }
0xc7: {  	v60 =	vor.u32 $0x180, v4;
	_ =	sdelay $0x3  }
0xc8: {  	[tilespmem:v7+s17+$0x0] =	vst.idx.msk vm1, v6  }
0xc9: {  	v7 =	vor.u32 $0x180, v5;
	v6 =	vld.idx.msk [tilespmem:v60+s31+$0x0], vm1  }
0xca: {  	v61 =	vor.u32 $0x200, v4;
	_ =	sdelay $0x3  }
0xcb: {  	[tilespmem:v7+s17+$0x0] =	vst.idx.msk vm1, v6  }
0xcc: {  	v7 =	vor.u32 $0x200, v5;
	v6 =	vld.idx.msk [tilespmem:v61+s31+$0x0], vm1  }
0xcd: {  	v62 =	vor.u32 $0x280, v4;
	_ =	sdelay $0x3  }
0xce: {  	[tilespmem:v7+s17+$0x0] =	vst.idx.msk vm1, v6  }
0xcf: {  	v7 =	vor.u32 $0x280, v5;
	v6 =	vld.idx.msk [tilespmem:v62+s31+$0x0], vm1  }
0xd0: {  	v63 =	vor.u32 $0x300, v4;
	_ =	sdelay $0x3  }
0xd1: {  	[tilespmem:v7+s17+$0x0] =	vst.idx.msk vm1, v6  }
0xd2: {  	v7 =	vor.u32 $0x300, v5;
	v6 =	vld.idx.msk [tilespmem:v63+s31+$0x0], vm1  }
0xd3: {  	v4 =	vor.u32 $0x380, v4;
	_ =	sdelay $0x3  }
0xd4: {  	p0 =	sne.s32 s1, $0x1;
	[tilespmem:v7+s17+$0x0] =	vst.idx.msk vm1, v6  }
.Ltmp10:
0xd5: {  	v5 =	vor.u32 $0x380, v5;
	v4 =	vld.idx.msk [tilespmem:v4+s31+$0x0], vm1;
	(pc) =	sbr.rel @!p0 .LBB2_11-.Ltmp10, $2  }
0xd6: {  	_ =	sdelay $0x2  }
0xd7: {  	s1 =	sadd.s32 $0xFFFFFFFF, s1  }
.LBB2_10:
0xd8: {  	[tilespmem:v5+s17+$0x0] =	vst.idx.msk vm1, v4;
	s28 =	sadd.s32 $0x10, s28;
	s29 =	sadd.s32 $0x10, s29;
	s30 =	sadd.s32 $0x10, s30  }
0xd9: {  	p0 =	sne.s32 s1, $0x1;
	s1 =	sadd.s32 $0xFFFFFFFF, s1;
	v4 =	vld [tilespmem:s28+$0x0];
	_ =	sdelay $0x4  }
0xda: {  	v5 =	vsub.s32 v4, v2  }
0xdb: {  	v6 =	vor.u32 s30, v1;
	v5 =	vshll.u32 v5, $0x3  }
0xdc: {  	vm1 =	vlt.s32 v6, v3;
	v4 =	vand.u32 $0x7F, v4;
	v7 =	vld [tilespmem:s29+$0x0];
	v5 =	vand.u32 $0xFFFFFC00, v5  }
0xdd: {  	v4 =	vor.u32 v4, v5;
	_ =	sdelay $0x3  }
0xde: {  	v5 =	vshll.u32 v7, $0x3  }
0xdf: {  	v7 =	vand.u32 $0x7F, v7;
	v6 =	vld.idx.msk [tilespmem:v4+s31+$0x0], vm1;
	v5 =	vand.u32 $0xFFFFFC00, v5  }
0xe0: {  	v5 =	vor.u32 v7, v5  }
0xe1: {  	v7 =	vor.u32 $0x80, v4;
	_ =	sdelay $0x3  }
0xe2: {  	[tilespmem:v5+s17+$0x0] =	vst.idx.msk vm1, v6  }
0xe3: {  	v6 =	vld.idx.msk [tilespmem:v7+s31+$0x0], vm1  }
0xe4: {  	v7 =	vor.u32 $0x80, v5  }
0xe5: {  	v8 =	vor.u32 $0x100, v4;
	_ =	sdelay $0x3  }
0xe6: {  	[tilespmem:v7+s17+$0x0] =	vst.idx.msk vm1, v6  }
0xe7: {  	v6 =	vld.idx.msk [tilespmem:v8+s31+$0x0], vm1  }
0xe8: {  	v7 =	vor.u32 $0x100, v5  }
0xe9: {  	v8 =	vor.u32 $0x180, v4;
	_ =	sdelay $0x3  }
0xea: {  	[tilespmem:v7+s17+$0x0] =	vst.idx.msk vm1, v6  }
0xeb: {  	v6 =	vld.idx.msk [tilespmem:v8+s31+$0x0], vm1  }
0xec: {  	v7 =	vor.u32 $0x180, v5  }
0xed: {  	v8 =	vor.u32 $0x200, v4;
	_ =	sdelay $0x3  }
0xee: {  	[tilespmem:v7+s17+$0x0] =	vst.idx.msk vm1, v6  }
0xef: {  	v6 =	vld.idx.msk [tilespmem:v8+s31+$0x0], vm1  }
0xf0: {  	v7 =	vor.u32 $0x200, v5  }
0xf1: {  	v8 =	vor.u32 $0x280, v4;
	_ =	sdelay $0x3  }
0xf2: {  	[tilespmem:v7+s17+$0x0] =	vst.idx.msk vm1, v6  }
0xf3: {  	v6 =	vld.idx.msk [tilespmem:v8+s31+$0x0], vm1  }
0xf4: {  	v7 =	vor.u32 $0x280, v5  }
0xf5: {  	v8 =	vor.u32 $0x300, v4;
	_ =	sdelay $0x3  }
0xf6: {  	[tilespmem:v7+s17+$0x0] =	vst.idx.msk vm1, v6  }
0xf7: {  	v6 =	vld.idx.msk [tilespmem:v8+s31+$0x0], vm1  }
0xf8: {  	v7 =	vor.u32 $0x300, v5  }
0xf9: {  	v4 =	vor.u32 $0x380, v4;
	_ =	sdelay $0x1  }
.Ltmp11:
0xfa: {  	(pc) =	sbr.rel @p0 .LBB2_10-.Ltmp11, $4  }
0xfb: {  	_ = 	snop  }
0xfc: {  	[tilespmem:v7+s17+$0x0] =	vst.idx.msk vm1, v6  }
0xfd: {  	v4 =	vld.idx.msk [tilespmem:v4+s31+$0x0], vm1  }
0xfe: {  	v5 =	vor.u32 $0x380, v5  }
.Ltmp12:
0xff: {  	_ = 	snop;
	(pc) =	sbr.rel .LBB2_11-.Ltmp12, $1  }
0x100: {  	_ =	sdelay $0x3  }
.LBB2_13:
0x101: {  	p0 =	sgt.u32 s23, $0x47  }
0x102: {  	s1 =	sshrl.u32 @!p0 s23, $0x2  }
0x103: {  	s1 =	smul.u32 @!p0 $0x30E000, s1;
	_ =	sdelay $0x1  }
0x104: {  	s1 =	sadd.s32 @!p0 s5, s1  }
0x105: {  	_ =	swait.ge [sflag:s16], $0x1800;
	s1 =	sadd.s32 @!p0 $0x1870000, s1  }
0x106: {  	[sflag:s16] =	ssyncset.done $0x0;
	s1 =	sshrl.u32 @!p0 s1, $0x3  }
0x107: {  	s23 =	simm.s32 @!p0 $0x0;
	[sflag:s16] =	ssyncadd.s32 $0xFFFFE800;
	s1 =	sadd.s32 @!p0 s2, s1  }
0x108: {  	[tilespmem:s23], [sflag:$0x1] =	stream.linear.gather @!p0 [hbm4b:s1+s23], $0x2000, $0x38;
	[tilespmem:$0x1D580] =	vst v63  }
0x109: {  	s25 =	simm.s32 @!p0 $0x2000;
	s24 =	sadd.s32 @!p0 $0x400, s1  }
0x10a: {  	[tilespmem:s25], [sflag:$0x1] =	stream.linear.gather @!p0 [hbm4b:s24+s23], $0x2000, $0x38;
	[tilespmem:$0x1D580] =	vst v63  }
0x10b: {  	s24 =	sadd.s32 @!p0 $0x800, s1;
	s25 =	simm.s32 @!p0 $0x4000  }
0x10c: {  	[tilespmem:s25], [sflag:$0x1] =	stream.linear.gather @!p0 [hbm4b:s24+s23], $0x2000, $0x38;
	[tilespmem:$0x1D580] =	vst v63  }
0x10d: {  	s24 =	sadd.s32 @!p0 $0xC00, s1;
	s25 =	simm.s32 @!p0 $0x6000  }
0x10e: {  	[tilespmem:s25], [sflag:$0x1] =	stream.linear.gather @!p0 [hbm4b:s24+s23], $0x2000, $0x38;
	[tilespmem:$0x1D580] =	vst v63  }
0x10f: {  	s24 =	sadd.s32 @!p0 $0x1000, s1;
	s25 =	simm.s32 @!p0 $0x8000  }
0x110: {  	[tilespmem:s25], [sflag:$0x1] =	stream.linear.gather @!p0 [hbm4b:s24+s23], $0x2000, $0x38;
	[tilespmem:$0x1D580] =	vst v63  }
0x111: {  	s24 =	sadd.s32 @!p0 $0x1400, s1;
	s25 =	simm.s32 @!p0 $0xA000  }
0x112: {  	[tilespmem:s25], [sflag:$0x1] =	stream.linear.gather @!p0 [hbm4b:s24+s23], $0x2000, $0x38;
	[tilespmem:$0x1D580] =	vst v63  }
0x113: {  	s24 =	sadd.s32 @!p0 $0x1800, s1;
	s25 =	simm.s32 @!p0 $0xC000  }
0x114: {  	[tilespmem:s25], [sflag:$0x1] =	stream.linear.gather @!p0 [hbm4b:s24+s23], $0x2000, $0x38;
	[tilespmem:$0x1D580] =	vst v63  }
0x115: {  	s1 =	sadd.s32 @!p0 $0x1C00, s1;
	s24 =	simm.s32 @!p0 $0xE000  }
0x116: {  	[tilespmem:s24], [sflag:$0x1] =	stream.linear.gather @!p0 [hbm4b:s1+s23], $0x2000, $0x38;
	[tilespmem:$0x1D580] =	vst v63  }
0x117: {  	v2 =	vld [tilespmem:$0x1D4E0]  }
0x118: {  	v3 =	vld [tilespmem:$0x1D460];
	_ =	sdelay $0x3  }
0x119: {  	v2 =	vsel vm0, $0x0, v2  }
0x11a: {  	v3 =	vsel vm0, $0x0, v3;
	v2 =	vxor.u32 $0x80000000, v2  }
0x11b: {  	(xrf0) =	vmax.scan.msk.u32 $0xffff, v2;
	v2 =	vxor.u32 $0x80000000, v3  }
0x11c: {  	(xrf0) =	vmax.scan.msk.u32 $0xffff, v2;
	_ =	sdelay $0x4  }
0x11d: {  	v2, _, _ =	vpop (xrf0)  }
0x11e: {  	(v2sf) =	vpush v2, $0xF;
	v2, _, _ =	vpop (xrf0)  }
0x11f: {  	(v2sf) =	vpush v2, $0xF;
	_ =	sdelay $0xd  }
0x120: {  	s23 =	spop (v2sf)  }
0x121: {  	s24 =	spop (v2sf)  }
0x122: {  	s31 =	sadd.s32 $0x8000000F, s24  }
0x123: {  	s1 =	sshra.s32 s31, $0x4  }
0x124: {  	p0 =	slt.s32 s1, $0x1  }
.Ltmp13:
0x125: {  	_ = 	snop;
	(pc) =	sbr.rel @p0 .LBB2_17-.Ltmp13, $1  }
0x126: {  	_ =	sdelay $0x3  }
0x127: {  	s23 =	sshll.u32 s23, $0x2  }
0x128: {  	s25 =	sshra.s32 s23, $0x2  }
0x129: {  	s23 =	sadd.s32 $0x1A800, s25  }
0x12a: {  	v3 =	vld [tilespmem:s23+$0x0];
	_ =	sdelay $0x3  }
0x12b: {  	s24 =	sxor.u32 $0x80000000, s24  }
0x12c: {  	v2 =	vmov s24;
	s24 =	sadd.s32 $0x1BE00, s25;
	s25 =	simm.s32 $0x0;
	v4 =	vshll.u32 v3, $0x3  }
0x12d: {  	v5 =	vor.u32 s25, v1;
	v6 =	vld [tilespmem:s24+$0x0];
	v3 =	vand.u32 $0x7F, v3;
	v4 =	vand.u32 $0xFFFFFC00, v4  }
0x12e: {  	vm1 =	vlt.s32 v5, v2;
	v3 =	vor.u32 v3, v4  }
0x12f: {  	v4 =	vadd.s32 $0xFFF3E000, v3;
	_ =	sdelay $0x2  }
0x130: {  	v5 =	vshll.u32 v6, $0x3  }
0x131: {  	v6 =	vand.u32 $0x7F, v6;
	v5 =	vand.u32 $0xFFFFFC00, v5  }
0x132: {  	v5 =	vor.u32 v6, v5;
	v4 =	vld.idx.msk [tilespmem:v4+s18+$0x0], vm1  }
0x133: {  	v6 =	vadd.s32 $0xFFF3E080, v3;
	_ =	sdelay $0x3  }
0x134: {  	[tilespmem:v5+s17+$0x0] =	vst.idx.msk vm1, v4  }
0x135: {  	v4 =	vld.idx.msk [tilespmem:v6+s18+$0x0], vm1;
	v6 =	vor.u32 $0x80, v5  }
0x136: {  	v7 =	vadd.s32 $0xFFF3E100, v3;
	_ =	sdelay $0x3  }
0x137: {  	[tilespmem:v6+s17+$0x0] =	vst.idx.msk vm1, v4  }
0x138: {  	v6 =	vor.u32 $0x100, v5;
	v4 =	vld.idx.msk [tilespmem:v7+s18+$0x0], vm1  }
0x139: {  	v7 =	vadd.s32 $0xFFF3E180, v3;
	_ =	sdelay $0x3  }
0x13a: {  	[tilespmem:v6+s17+$0x0] =	vst.idx.msk vm1, v4  }
0x13b: {  	v6 =	vor.u32 $0x180, v5;
	v4 =	vld.idx.msk [tilespmem:v7+s18+$0x0], vm1  }
0x13c: {  	v7 =	vadd.s32 $0xFFF3E200, v3;
	_ =	sdelay $0x3  }
0x13d: {  	[tilespmem:v6+s17+$0x0] =	vst.idx.msk vm1, v4  }
0x13e: {  	v6 =	vor.u32 $0x200, v5;
	v4 =	vld.idx.msk [tilespmem:v7+s18+$0x0], vm1  }
0x13f: {  	v7 =	vadd.s32 $0xFFF3E280, v3;
	_ =	sdelay $0x3  }
0x140: {  	[tilespmem:v6+s17+$0x0] =	vst.idx.msk vm1, v4  }
0x141: {  	v6 =	vor.u32 $0x280, v5;
	v4 =	vld.idx.msk [tilespmem:v7+s18+$0x0], vm1  }
0x142: {  	v7 =	vadd.s32 $0xFFF3E300, v3;
	_ =	sdelay $0x3  }
0x143: {  	[tilespmem:v6+s17+$0x0] =	vst.idx.msk vm1, v4  }
0x144: {  	v6 =	vor.u32 $0x300, v5;
	v4 =	vld.idx.msk [tilespmem:v7+s18+$0x0], vm1  }
0x145: {  	v3 =	vadd.s32 $0xFFF3E380, v3;
	_ =	sdelay $0x3  }
0x146: {  	p0 =	sne.s32 s1, $0x1;
	[tilespmem:v6+s17+$0x0] =	vst.idx.msk vm1, v4  }
.Ltmp14:
0x147: {  	v4 =	vor.u32 $0x380, v5;
	v3 =	vld.idx.msk [tilespmem:v3+s18+$0x0], vm1;
	(pc) =	sbr.rel @!p0 .LBB2_16-.Ltmp14, $2  }
0x148: {  	_ =	sdelay $0x2  }
0x149: {  	s1 =	sadd.s32 $0xFFFFFFFF, s1  }
.LBB2_15:
0x14a: {  	[tilespmem:v4+s17+$0x0] =	vst.idx.msk vm1, v3;
	s23 =	sadd.s32 $0x10, s23;
	s24 =	sadd.s32 $0x10, s24;
	s25 =	sadd.s32 $0x10, s25  }
0x14b: {  	p0 =	sne.s32 s1, $0x1;
	s1 =	sadd.s32 $0xFFFFFFFF, s1;
	v3 =	vld [tilespmem:s23+$0x0];
	_ =	sdelay $0x4  }
0x14c: {  	v4 =	vshll.u32 v3, $0x3  }
0x14d: {  	v5 =	vor.u32 s25, v1;
	v3 =	vand.u32 $0x7F, v3;
	v4 =	vand.u32 $0xFFFFFC00, v4  }
0x14e: {  	vm1 =	vlt.s32 v5, v2;
	v6 =	vld [tilespmem:s24+$0x0];
	v3 =	vor.u32 v3, v4  }
0x14f: {  	v4 =	vadd.s32 $0xFFF3E000, v3;
	_ =	sdelay $0x3  }
0x150: {  	v5 =	vshll.u32 v6, $0x3  }
0x151: {  	v6 =	vand.u32 $0x7F, v6;
	v4 =	vld.idx.msk [tilespmem:v4+s18+$0x0], vm1;
	v5 =	vand.u32 $0xFFFFFC00, v5  }
0x152: {  	v5 =	vor.u32 v6, v5  }
0x153: {  	v6 =	vadd.s32 $0xFFF3E080, v3;
	_ =	sdelay $0x3  }
0x154: {  	[tilespmem:v5+s17+$0x0] =	vst.idx.msk vm1, v4  }
0x155: {  	v4 =	vld.idx.msk [tilespmem:v6+s18+$0x0], vm1  }
0x156: {  	v6 =	vor.u32 $0x80, v5  }
0x157: {  	v7 =	vadd.s32 $0xFFF3E100, v3;
	_ =	sdelay $0x3  }
0x158: {  	[tilespmem:v6+s17+$0x0] =	vst.idx.msk vm1, v4  }
0x159: {  	v4 =	vld.idx.msk [tilespmem:v7+s18+$0x0], vm1  }
0x15a: {  	v6 =	vor.u32 $0x100, v5  }
0x15b: {  	v7 =	vadd.s32 $0xFFF3E180, v3;
	_ =	sdelay $0x3  }
0x15c: {  	[tilespmem:v6+s17+$0x0] =	vst.idx.msk vm1, v4  }
0x15d: {  	v4 =	vld.idx.msk [tilespmem:v7+s18+$0x0], vm1  }
0x15e: {  	v6 =	vor.u32 $0x180, v5  }
0x15f: {  	v7 =	vadd.s32 $0xFFF3E200, v3;
	_ =	sdelay $0x3  }
0x160: {  	[tilespmem:v6+s17+$0x0] =	vst.idx.msk vm1, v4  }
0x161: {  	v4 =	vld.idx.msk [tilespmem:v7+s18+$0x0], vm1  }
0x162: {  	v6 =	vor.u32 $0x200, v5  }
0x163: {  	v7 =	vadd.s32 $0xFFF3E280, v3;
	_ =	sdelay $0x3  }
0x164: {  	[tilespmem:v6+s17+$0x0] =	vst.idx.msk vm1, v4  }
0x165: {  	v4 =	vld.idx.msk [tilespmem:v7+s18+$0x0], vm1  }
0x166: {  	v6 =	vor.u32 $0x280, v5  }
0x167: {  	v7 =	vadd.s32 $0xFFF3E300, v3;
	_ =	sdelay $0x3  }
0x168: {  	[tilespmem:v6+s17+$0x0] =	vst.idx.msk vm1, v4  }
0x169: {  	v4 =	vld.idx.msk [tilespmem:v7+s18+$0x0], vm1  }
0x16a: {  	v6 =	vor.u32 $0x300, v5  }
0x16b: {  	v3 =	vadd.s32 $0xFFF3E380, v3;
	_ =	sdelay $0x1  }
.Ltmp15:
0x16c: {  	(pc) =	sbr.rel @p0 .LBB2_15-.Ltmp15, $4  }
0x16d: {  	_ = 	snop  }
0x16e: {  	[tilespmem:v6+s17+$0x0] =	vst.idx.msk vm1, v4  }
0x16f: {  	v3 =	vld.idx.msk [tilespmem:v3+s18+$0x0], vm1  }
0x170: {  	v4 =	vor.u32 $0x380, v5  }
.Ltmp16:
0x171: {  	_ = 	snop;
	(pc) =	sbr.rel .LBB2_16-.Ltmp16, $1  }
0x172: {  	_ =	sdelay $0x3  }
.LBB2_20:
0x173: {  	_ =	sfence.sel $0x180000  }
0x174: {  	[bflag:$0x0] =	sbarrier.arrive $0xFFFF  }
0x175: {  	_ =	strace $0x90000047  }
0x176: {  	[bflag:$0x2] =	sbarrier.arrive $0xFFFF  }
0x177: {  	p0 =	sne.s32 s0, $0x0;
	s0 =	rddreg [dreg:$0x3]  }
0x178: {  	s0 =	sadd.s32 @!p0 $0x100000, s0  }
0x179: {  	[sflag:s0] =	ssyncadd.tile.s32 @!p0 $0x1;
	_ =	shalt  }
.Lfunc_end2:
_tile_overlayer_lowered:
.L_overlay_start_2:
0x17a: {  	(tag) =	ssettag $0x2  }
0x17b: {  	s0 =	rddreg [dreg:$0x0];
	s2 =	stileid.u32  }
0x17c: {  	s1 =	rddreg [dreg:$0x1];
	p0 =	sne.s32 s2, $0x0  }
0x17d: {  	s3 =	rddreg [dreg:$0x2];
	[bflag:$0x3] =	sbarrier.arrive $0xFFFF;
	s2 =	simm.s32 @!p0 $0x1C03  }
0x17e: {  	[timem:s3], [sflag:s2] =	dma.local @!p0 [hbm:s0], s1  }
0x17f: {  	s0 =	simm.s32 @!p0 $0x3  }
0x180: {  	_ =	swait.ge @!p0 [sflag:s0], s1  }
0x181: {  	s1 =	ssub.s32 @!p0 $0x0, s1;
	[sflag:s0] =	ssyncset.done @!p0 $0x0  }
0x182: {  	[sflag:s0] =	ssyncadd.s32 @!p0 s1  }
0x183: {  	[bflag:$0x3] =	sbarrier.arrive $0xFFFF  }
0x184: {  	_ =	shalt  }

</sc_bundles>
